<compile_context>
chip_gen: v7x
topology: tpu7x:2x2x1
jax: 0.10.2.dev20260603
libtpu: 0.0.44.dev20260713+nightly
codegen_flags: <defaults>
</compile_context>

<pallas_src>
import functools

import jax
import jax.numpy as jnp
from jax import lax
from jax.experimental import pallas as pl
from jax.experimental.pallas import tpu as pltpu
from jax.experimental.pallas import tpu_sc as plsc

D = 128
L = 16
CH = 128
NW = 32
E = 320000
CHUNKS = 80
EPW = CH * CHUNKS
EP = EPW * NW
TCH = NW * CHUNKS
N = 10000
D2 = D // 2
MHI = -65536
NP = 10240


def _lane_perm(v, idx):
    dnums = lax.GatherDimensionNumbers(
        offset_dims=(), collapsed_slice_dims=(0,), start_index_map=(0,))
    return lax.gather(v, idx[:, None], dnums, (1,),
                      mode=lax.GatherScatterMode.PROMISE_IN_BOUNDS)


def _make_ip_kernel():
    mesh = plsc.VectorSubcoreMesh(core_axis_name="c", subcore_axis_name="s")

    @functools.partial(
        pl.kernel,
        mesh=mesh,
        compiler_params=pltpu.CompilerParams(needs_layout_passes=False,
                                             use_tc_tiling_on_sc=False),
        out_type=jax.ShapeDtypeStruct((EP,), jnp.float32),
        scratch_types=[
            pltpu.VMEM((2, 2, CH), jnp.int32),
            pltpu.VMEM((2, CH, D2), jnp.int32),
            pltpu.VMEM((2, CH, D2), jnp.int32),
            pltpu.VMEM((2, CH), jnp.float32),
            pltpu.VMEM((CH // 2, L), jnp.float32),
            pltpu.VMEM_SHARED((NP, D2), jnp.int32),
            pltpu.SemaphoreType.DMA,
            pltpu.SemaphoreType.DMA,
            pltpu.SemaphoreType.DMA,
            pltpu.SemaphoreType.DMA,
            pltpu.SemaphoreType.DMA,
            pltpu.SemaphoreType.DMA,
        ],
    )
    def ip(x_hbm, idx_hbm, out_hbm,
           idx_v, rows_s, rows_d, out_v, pbuf, x_sh,
           sem_i0, sem_i1, sem_g0, sem_g1, sem_o0, sem_o1):
        wid = lax.axis_index("s") * 2 + lax.axis_index("c")
        t0 = wid * CHUNKS
        lane = lax.iota(jnp.int32, L)
        perm_idx = [lane ^ s for s in (1, 2, 4, 8)]
        sel_mask = [(lane & s) == 0 for s in (1, 2, 4, 8)]

        def merge(u, v, lvl):
            pu = _lane_perm(u, perm_idx[lvl])
            pv = _lane_perm(v, perm_idx[lvl])
            return (jnp.where(sel_mask[lvl], u, pv)
                    + jnp.where(sel_mask[lvl], pu, v))
        sem_i = (sem_i0, sem_i1)
        sem_g = (sem_g0, sem_g1)
        sem_o = (sem_o0, sem_o1)

        def issue_idx(c, b):
            pltpu.async_copy(idx_hbm.at[t0 + c], idx_v.at[b], sem_i[b])

        def wait_idx(b):
            pltpu.make_async_copy(idx_hbm.at[t0], idx_v.at[b],
                                  sem_i[b]).wait()

        NSPLIT = 1
        SW = CH // NSPLIT

        def issue_gather(b):
            for p in range(NSPLIT):
                sl = pl.ds(p * SW, SW)
                pltpu.async_copy(x_sh.at[idx_v.at[b, 0, sl]],
                                 rows_s.at[b, sl], sem_g[b])
                pltpu.async_copy(x_sh.at[idx_v.at[b, 1, sl]],
                                 rows_d.at[b, sl], sem_g[b])

        def wait_gather(b):
            for p in range(NSPLIT):
                sl = pl.ds(p * SW, SW)
                pltpu.make_async_copy(x_sh.at[idx_v.at[b, 0, sl]],
                                      rows_s.at[b, sl], sem_g[b]).wait()
                pltpu.make_async_copy(x_sh.at[idx_v.at[b, 1, sl]],
                                      rows_d.at[b, sl], sem_g[b]).wait()

        def issue_out(c, b):
            pltpu.async_copy(out_v.at[b],
                             out_hbm.at[pl.ds((t0 + c) * CH, CH)], sem_o[b])

        def wait_out(b):
            pltpu.make_async_copy(out_v.at[b], out_hbm.at[pl.ds(0, CH)],
                                  sem_o[b]).wait()

        def compute(b):
            rs, rd, ov = rows_s.at[b], rows_d.at[b], out_v.at[b]

            def edge_acc(e):
                a = None
                b = None
                for k in range(D2 // L):
                    sw = rs[e, pl.ds(k * L, L)]
                    dw = rd[e, pl.ds(k * L, L)]
                    sa = plsc.bitcast(sw & MHI, jnp.float32)
                    da = plsc.bitcast(dw & MHI, jnp.float32)
                    sb = plsc.bitcast(lax.shift_left(sw, 16), jnp.float32)
                    db = plsc.bitcast(lax.shift_left(dw, 16), jnp.float32)
                    a = sa * da if a is None else a + sa * da
                    b = sb * db if b is None else b + sb * db
                return a + b

            def pair_body(p, _):
                e0 = 2 * p
                pbuf[p] = merge(edge_acc(e0), edge_acc(e0 + 1), 0)
                return 0

            def fin_body(g, _):
                q0 = g * 8
                a = merge(pbuf[q0 + 0], pbuf[q0 + 1], 1)
                b = merge(pbuf[q0 + 2], pbuf[q0 + 3], 1)
                c = merge(pbuf[q0 + 4], pbuf[q0 + 5], 1)
                d = merge(pbuf[q0 + 6], pbuf[q0 + 7], 1)
                ov[pl.ds(g * L, L)] = merge(merge(a, b, 2), merge(c, d, 2), 3)
                return 0

            lax.fori_loop(0, CH // 2, pair_body, 0)
            lax.fori_loop(0, CH // L, fin_body, 0)

        sid = lax.axis_index("s")
        rpt = NP // 16
        pltpu.sync_copy(x_hbm.at[pl.ds(sid * rpt, rpt)],
                        x_sh.at[pl.ds(sid * rpt, rpt)])
        plsc.subcore_barrier()

        issue_idx(0, 0)
        issue_idx(1, 1)
        wait_idx(0)
        issue_gather(0)

        def pair_body(i, carry):
            for b in (0, 1):
                c = 2 * i + b
                nb = 1 - b
                wait_gather(b)

                @pl.when(c + 2 < CHUNKS)
                def _():
                    issue_idx(c + 2, b)

                @pl.when(c + 1 < CHUNKS)
                def _():
                    wait_idx(nb)
                    issue_gather(nb)

                @pl.when(c >= 2)
                def _():
                    wait_out(b)

                compute(b)
                issue_out(c, b)
            return carry

        lax.fori_loop(0, CHUNKS // 2, pair_body, 0)
        wait_out(0)
        wait_out(1)

    return ip


_ip_kernel = _make_ip_kernel()


@jax.jit
def kernel(x, edge_index):
    ei = edge_index.astype(jnp.int32)
    src = jnp.pad(ei[0], (0, EP - E)).reshape(TCH, CH)
    dst = jnp.pad(ei[1], (0, EP - E)).reshape(TCH, CH)
    idx_packed = jnp.stack([src, dst], axis=1)
    x_bf = jnp.pad(x, ((0, NP - N), (0, 0))).astype(jnp.bfloat16)
    x_i32 = lax.bitcast_convert_type(x_bf.reshape(NP, D2, 2), jnp.int32)
    out = _ip_kernel(x_i32, idx_packed)
    return out[:E]

# --- scband reference (transcript-rebuilt; emitter-appended) ---
"""Pipeline reference for scband-inner-product-22840636080559 (READ-ONLY COPY).

The authoritative reference and input builder live on the scoring server;
editing this copy changes nothing except your own understanding.
"""

import jax, jax.numpy as jnp
import numpy as np

def setup_inputs(seed: int = 0) -> dict:
    key = jax.random.key(seed)
    k1, k2 = jax.random.split(key)
    x = jax.random.normal(k1, (10000, 128), dtype=jnp.float32)
    edge_index = jax.random.randint(k2, (2, 320000), 0, 10000, dtype=jnp.int64)
    return {"x": x, "edge_index": edge_index}

def reference(x, edge_index):
    # InnerProduct.forward with reduce=True on a single (non-temporal) graph
    ei = edge_index.T  # [E, 2]
    embedding_i = x[ei[:, 0]]  # gather src embeddings [E, d]
    embedding_j = x[ei[:, 1]]  # gather dst embeddings [E, d]
    return jnp.sum(embedding_i * embedding_j, axis=1)  # [E]

if __name__ == "__main__":
    import jax
    _d = setup_inputs()
    print(jax.jit(kernel)(*tuple(_d.values())))

</pallas_src>

<mosaic_0001>
#map = affine_map<(d0, d1) -> (0, 0)>
#map1 = affine_map<(d0, d1) -> (0, 0, 0)>
#map2 = affine_map<(d0, d1) -> (0)>
module attributes {stable_mosaic.version = 14 : i64} {
  func.func @ip(%arg0: i32, %arg1: i32, %arg2: memref<10240x64xi32, #tpu.memory_space<hbm>>, %arg3: memref<2560x2x128xi32, #tpu.memory_space<hbm>>, %arg4: memref<327680xf32, #tpu.memory_space<hbm>>, %arg5: memref<2x2x128xi32, #tpu.memory_space<vmem>>, %arg6: memref<2x128x64xi32, #tpu.memory_space<vmem>>, %arg7: memref<2x128x64xi32, #tpu.memory_space<vmem>>, %arg8: memref<2x128xf32, #tpu.memory_space<vmem>>, %arg9: memref<64x16xf32, #tpu.memory_space<vmem>>, %arg10: memref<10240x64xi32, #tpu.memory_space<vmem_shared>>, %arg11: memref<!tpu.dma_semaphore, #tpu.memory_space<semaphore_mem>>, %arg12: memref<!tpu.dma_semaphore, #tpu.memory_space<semaphore_mem>>, %arg13: memref<!tpu.dma_semaphore, #tpu.memory_space<semaphore_mem>>, %arg14: memref<!tpu.dma_semaphore, #tpu.memory_space<semaphore_mem>>, %arg15: memref<!tpu.dma_semaphore, #tpu.memory_space<semaphore_mem>>, %arg16: memref<!tpu.dma_semaphore, #tpu.memory_space<semaphore_mem>>) attributes {dimension_semantics = [#tpu.dimension_semantics<core_parallel>, #tpu.dimension_semantics<subcore_parallel>], iteration_bounds = array<i64: 2, 16>, scalar_prefetch = 0 : i64, scratch_operands = 12 : i64, tpu.core_type = #tpu.core_type<sc_vector_subcore>, window_params = [{transform_indices = #map}, {transform_indices = #map1}, {transform_indices = #map2}]} {
    %mul3A = arith.constant 2 : i32
    %mul3A_0 = arith.muli %arg1, %mul3A : i32
    %add3A = arith.addi %mul3A_0, %arg0 : i32
    %mul3A_1 = arith.constant 80 : i32
    %mul3A_2 = arith.muli %add3A, %mul3A_1 : i32
    %iota3A = tpu.iota {dimensions = array<i32: 0>} : vector<16xi32>
    %xor3A = arith.constant 1 : i32
    %xor3A_3 = vector.broadcast %xor3A : i32 to vector<16xi32>
    %xor3A_4 = arith.xori %iota3A, %xor3A_3 : vector<16xi32>
    %xor3A_5 = arith.constant 2 : i32
    %xor3A_6 = vector.broadcast %xor3A_5 : i32 to vector<16xi32>
    %xor3A_7 = arith.xori %iota3A, %xor3A_6 : vector<16xi32>
    %xor3A_8 = arith.constant 4 : i32
    %xor3A_9 = vector.broadcast %xor3A_8 : i32 to vector<16xi32>
    %xor3A_10 = arith.xori %iota3A, %xor3A_9 : vector<16xi32>
    %xor3A_11 = arith.constant 8 : i32
    %xor3A_12 = vector.broadcast %xor3A_11 : i32 to vector<16xi32>
    %xor3A_13 = arith.xori %iota3A, %xor3A_12 : vector<16xi32>
    %and3A = arith.constant 1 : i32
    %and3A_14 = vector.broadcast %and3A : i32 to vector<16xi32>
    %and3A_15 = arith.andi %iota3A, %and3A_14 : vector<16xi32>
    %eq3A = arith.constant 0 : i32
    %eq3A_16 = vector.broadcast %eq3A : i32 to vector<16xi32>
    %eq3A_17 = arith.cmpi eq, %and3A_15, %eq3A_16 : vector<16xi32>
    %and3A_18 = arith.constant 2 : i32
    %and3A_19 = vector.broadcast %and3A_18 : i32 to vector<16xi32>
    %and3A_20 = arith.andi %iota3A, %and3A_19 : vector<16xi32>
    %eq3A_21 = arith.constant 0 : i32
    %eq3A_22 = vector.broadcast %eq3A_21 : i32 to vector<16xi32>
    %eq3A_23 = arith.cmpi eq, %and3A_20, %eq3A_22 : vector<16xi32>
    %and3A_24 = arith.constant 4 : i32
    %and3A_25 = vector.broadcast %and3A_24 : i32 to vector<16xi32>
    %and3A_26 = arith.andi %iota3A, %and3A_25 : vector<16xi32>
    %eq3A_27 = arith.constant 0 : i32
    %eq3A_28 = vector.broadcast %eq3A_27 : i32 to vector<16xi32>
    %eq3A_29 = arith.cmpi eq, %and3A_26, %eq3A_28 : vector<16xi32>
    %and3A_30 = arith.constant 8 : i32
    %and3A_31 = vector.broadcast %and3A_30 : i32 to vector<16xi32>
    %and3A_32 = arith.andi %iota3A, %and3A_31 : vector<16xi32>
    %eq3A_33 = arith.constant 0 : i32
    %eq3A_34 = vector.broadcast %eq3A_33 : i32 to vector<16xi32>
    %eq3A_35 = arith.cmpi eq, %and3A_32, %eq3A_34 : vector<16xi32>
    %mul3A_36 = arith.constant 640 : i32
    %mul3A_37 = arith.muli %arg1, %mul3A_36 : i32
    %mul3A_38 = arith.constant 640 : i32
    %mul3A_39 = arith.muli %arg1, %mul3A_38 : i32
    "tpu.region"() ({
      %run_scoped3A = tpu.sem_alloc : memref<!tpu.dma_semaphore, #tpu.memory_space<semaphore_mem>>
      %dma_start3A_146 = arith.constant 0 : i32
      %dma_start3A_147 = tpu.memref_slice %arg10[%mul3A_39, %dma_start3A_146] : memref<10240x64xi32, #tpu.memory_space<vmem_shared>> -> memref<640x64xi32, #tpu.memory_space<vmem_shared>>
      %dma_start3A_148 = arith.constant 0 : i32
      %dma_start3A_149 = tpu.memref_slice %arg2[%mul3A_37, %dma_start3A_148] : memref<10240x64xi32, #tpu.memory_space<hbm>> -> memref<640x64xi32, #tpu.memory_space<hbm>>
      tpu.enqueue_dma source(%dma_start3A_149 : memref<640x64xi32, #tpu.memory_space<hbm>>) target(%dma_start3A_147 : memref<640x64xi32, #tpu.memory_space<vmem_shared>>) target_semaphore(%run_scoped3A : memref<!tpu.dma_semaphore, #tpu.memory_space<semaphore_mem>>)
      %dma_wait3A_150 = arith.constant 0 : i32
      %dma_wait3A_151 = tpu.memref_slice %arg10[%mul3A_39, %dma_wait3A_150] : memref<10240x64xi32, #tpu.memory_space<vmem_shared>> -> memref<640x64xi32, #tpu.memory_space<vmem_shared>>
      %dma_wait3A_152 = arith.constant 0 : i32
      %dma_wait3A_153 = tpu.memref_slice %arg2[%mul3A_37, %dma_wait3A_152] : memref<10240x64xi32, #tpu.memory_space<hbm>> -> memref<640x64xi32, #tpu.memory_space<hbm>>
      tpu.wait_dma2 semaphore(%run_scoped3A : memref<!tpu.dma_semaphore, #tpu.memory_space<semaphore_mem>>) src(%dma_wait3A_153 : memref<640x64xi32, #tpu.memory_space<hbm>>) dst(%dma_wait3A_151 : memref<640x64xi32, #tpu.memory_space<vmem_shared>>)
      tpu.yield
    }) : () -> ()
    %barrier3A = arith.constant 0 : index
    tpu.barrier barrier_id(%barrier3A)
    %add3A_40 = arith.constant 0 : i32
    %add3A_41 = arith.addi %mul3A_2, %add3A_40 : i32
    %dma_start3A = arith.constant 0 : i32
    %dma_start3A_42 = arith.constant 0 : i32
    %dma_start3A_43 = arith.constant 0 : i32
    %dma_start3A_44 = tpu.memref_slice %arg5[%dma_start3A, %dma_start3A_42, %dma_start3A_43] : memref<2x2x128xi32, #tpu.memory_space<vmem>> -> memref<1x2x128xi32, #tpu.memory_space<vmem>>
    %dma_start3A_45 = tpu.memref_squeeze %dma_start3A_44 : memref<1x2x128xi32, #tpu.memory_space<vmem>> -> memref<2x128xi32, #tpu.memory_space<vmem>>
    %dma_start3A_46 = arith.constant 0 : i32
    %dma_start3A_47 = arith.constant 0 : i32
    %dma_start3A_48 = tpu.memref_slice %arg3[%add3A_41, %dma_start3A_46, %dma_start3A_47] : memref<2560x2x128xi32, #tpu.memory_space<hbm>> -> memref<1x2x128xi32, #tpu.memory_space<hbm>>
    %dma_start3A_49 = tpu.memref_squeeze %dma_start3A_48 : memref<1x2x128xi32, #tpu.memory_space<hbm>> -> memref<2x128xi32, #tpu.memory_space<hbm>>
    %dma_start3A_50 = arith.constant 0 : i32
    %dma_start3A_51 = arith.constant 0 : i32
    %dma_start3A_52 = tpu.memref_slice %arg5[%dma_start3A, %dma_start3A_50, %dma_start3A_51] : memref<2x2x128xi32, #tpu.memory_space<vmem>> -> memref<1x2x128xi32, #tpu.memory_space<vmem>>
    %dma_start3A_53 = tpu.memref_squeeze %dma_start3A_52 : memref<1x2x128xi32, #tpu.memory_space<vmem>> -> memref<2x128xi32, #tpu.memory_space<vmem>>
    %dma_start3A_54 = arith.constant 0 : i32
    %dma_start3A_55 = arith.constant 0 : i32
    %dma_start3A_56 = tpu.memref_slice %arg3[%add3A_41, %dma_start3A_54, %dma_start3A_55] : memref<2560x2x128xi32, #tpu.memory_space<hbm>> -> memref<1x2x128xi32, #tpu.memory_space<hbm>>
    %dma_start3A_57 = tpu.memref_squeeze %dma_start3A_56 : memref<1x2x128xi32, #tpu.memory_space<hbm>> -> memref<2x128xi32, #tpu.memory_space<hbm>>
    tpu.enqueue_dma source(%dma_start3A_57 : memref<2x128xi32, #tpu.memory_space<hbm>>) target(%dma_start3A_53 : memref<2x128xi32, #tpu.memory_space<vmem>>) target_semaphore(%arg11 : memref<!tpu.dma_semaphore, #tpu.memory_space<semaphore_mem>>)
    %add3A_58 = arith.constant 1 : i32
    %add3A_59 = arith.addi %mul3A_2, %add3A_58 : i32
    %dma_start3A_60 = arith.constant 1 : i32
    %dma_start3A_61 = arith.constant 0 : i32
    %dma_start3A_62 = arith.constant 0 : i32
    %dma_start3A_63 = tpu.memref_slice %arg5[%dma_start3A_60, %dma_start3A_61, %dma_start3A_62] : memref<2x2x128xi32, #tpu.memory_space<vmem>> -> memref<1x2x128xi32, #tpu.memory_space<vmem>>
    %dma_start3A_64 = tpu.memref_squeeze %dma_start3A_63 : memref<1x2x128xi32, #tpu.memory_space<vmem>> -> memref<2x128xi32, #tpu.memory_space<vmem>>
    %dma_start3A_65 = arith.constant 0 : i32
    %dma_start3A_66 = arith.constant 0 : i32
    %dma_start3A_67 = tpu.memref_slice %arg3[%add3A_59, %dma_start3A_65, %dma_start3A_66] : memref<2560x2x128xi32, #tpu.memory_space<hbm>> -> memref<1x2x128xi32, #tpu.memory_space<hbm>>
    %dma_start3A_68 = tpu.memref_squeeze %dma_start3A_67 : memref<1x2x128xi32, #tpu.memory_space<hbm>> -> memref<2x128xi32, #tpu.memory_space<hbm>>
    %dma_start3A_69 = arith.constant 0 : i32
    %dma_start3A_70 = arith.constant 0 : i32
    %dma_start3A_71 = tpu.memref_slice %arg5[%dma_start3A_60, %dma_start3A_69, %dma_start3A_70] : memref<2x2x128xi32, #tpu.memory_space<vmem>> -> memref<1x2x128xi32, #tpu.memory_space<vmem>>
    %dma_start3A_72 = tpu.memref_squeeze %dma_start3A_71 : memref<1x2x128xi32, #tpu.memory_space<vmem>> -> memref<2x128xi32, #tpu.memory_space<vmem>>
    %dma_start3A_73 = arith.constant 0 : i32
    %dma_start3A_74 = arith.constant 0 : i32
    %dma_start3A_75 = tpu.memref_slice %arg3[%add3A_59, %dma_start3A_73, %dma_start3A_74] : memref<2560x2x128xi32, #tpu.memory_space<hbm>> -> memref<1x2x128xi32, #tpu.memory_space<hbm>>
    %dma_start3A_76 = tpu.memref_squeeze %dma_start3A_75 : memref<1x2x128xi32, #tpu.memory_space<hbm>> -> memref<2x128xi32, #tpu.memory_space<hbm>>
    tpu.enqueue_dma source(%dma_start3A_76 : memref<2x128xi32, #tpu.memory_space<hbm>>) target(%dma_start3A_72 : memref<2x128xi32, #tpu.memory_space<vmem>>) target_semaphore(%arg12 : memref<!tpu.dma_semaphore, #tpu.memory_space<semaphore_mem>>)
    %dma_wait3A = arith.constant 0 : i32
    %dma_wait3A_77 = arith.constant 0 : i32
    %dma_wait3A_78 = arith.constant 0 : i32
    %dma_wait3A_79 = tpu.memref_slice %arg5[%dma_wait3A, %dma_wait3A_77, %dma_wait3A_78] : memref<2x2x128xi32, #tpu.memory_space<vmem>> -> memref<1x2x128xi32, #tpu.memory_space<vmem>>
    %dma_wait3A_80 = tpu.memref_squeeze %dma_wait3A_79 : memref<1x2x128xi32, #tpu.memory_space<vmem>> -> memref<2x128xi32, #tpu.memory_space<vmem>>
    %dma_wait3A_81 = arith.constant 0 : i32
    %dma_wait3A_82 = arith.constant 0 : i32
    %dma_wait3A_83 = tpu.memref_slice %arg3[%mul3A_2, %dma_wait3A_81, %dma_wait3A_82] : memref<2560x2x128xi32, #tpu.memory_space<hbm>> -> memref<1x2x128xi32, #tpu.memory_space<hbm>>
    %dma_wait3A_84 = tpu.memref_squeeze %dma_wait3A_83 : memref<1x2x128xi32, #tpu.memory_space<hbm>> -> memref<2x128xi32, #tpu.memory_space<hbm>>
    %dma_wait3A_85 = arith.constant 0 : i32
    %dma_wait3A_86 = arith.constant 0 : i32
    %dma_wait3A_87 = tpu.memref_slice %arg5[%dma_wait3A, %dma_wait3A_85, %dma_wait3A_86] : memref<2x2x128xi32, #tpu.memory_space<vmem>> -> memref<1x2x128xi32, #tpu.memory_space<vmem>>
    %dma_wait3A_88 = tpu.memref_squeeze %dma_wait3A_87 : memref<1x2x128xi32, #tpu.memory_space<vmem>> -> memref<2x128xi32, #tpu.memory_space<vmem>>
    %dma_wait3A_89 = arith.constant 0 : i32
    %dma_wait3A_90 = arith.constant 0 : i32
    %dma_wait3A_91 = tpu.memref_slice %arg3[%mul3A_2, %dma_wait3A_89, %dma_wait3A_90] : memref<2560x2x128xi32, #tpu.memory_space<hbm>> -> memref<1x2x128xi32, #tpu.memory_space<hbm>>
    %dma_wait3A_92 = tpu.memref_squeeze %dma_wait3A_91 : memref<1x2x128xi32, #tpu.memory_space<hbm>> -> memref<2x128xi32, #tpu.memory_space<hbm>>
    tpu.wait_dma2 semaphore(%arg11 : memref<!tpu.dma_semaphore, #tpu.memory_space<semaphore_mem>>) src(%dma_wait3A_92 : memref<2x128xi32, #tpu.memory_space<hbm>>) dst(%dma_wait3A_88 : memref<2x128xi32, #tpu.memory_space<vmem>>)
    %dma_start3A_93 = arith.constant 0 : i32
    %dma_start3A_94 = arith.constant 0 : i32
    %dma_start3A_95 = arith.constant 0 : i32
    %dma_start3A_96 = arith.constant 0 : i32
    %dma_start3A_97 = arith.constant 0 : i32
    %dma_start3A_98 = tpu.memref_slice %arg6[%dma_start3A_95, %dma_start3A_96, %dma_start3A_97] : memref<2x128x64xi32, #tpu.memory_space<vmem>> -> memref<1x128x64xi32, #tpu.memory_space<vmem>>
    %dma_start3A_99 = tpu.memref_squeeze %dma_start3A_98 : memref<1x128x64xi32, #tpu.memory_space<vmem>> -> memref<128x64xi32, #tpu.memory_space<vmem>>
    %dma_start3A_100 = arith.constant 0 : i32
    %dma_start3A_101 = tpu.memref_slice %arg5[%dma_start3A_93, %dma_start3A_94, %dma_start3A_100] : memref<2x2x128xi32, #tpu.memory_space<vmem>> -> memref<1x1x128xi32, #tpu.memory_space<vmem>>
    %dma_start3A_102 = tpu.memref_squeeze %dma_start3A_101 : memref<1x1x128xi32, #tpu.memory_space<vmem>> -> memref<128xi32, #tpu.memory_space<vmem>>
    %dma_start3A_103 = arith.constant 0 : i32
    %dma_start3A_104 = arith.constant 0 : i32
    %dma_start3A_105 = tpu.memref_slice %arg10[%dma_start3A_103, %dma_start3A_104] : memref<10240x64xi32, #tpu.memory_space<vmem_shared>> -> memref<10240x64xi32, #tpu.memory_space<vmem_shared>>
    tpu.enqueue_indirect_dma source(%dma_start3A_105 : memref<10240x64xi32, #tpu.memory_space<vmem_shared>>) target(%dma_start3A_99 : memref<128x64xi32, #tpu.memory_space<vmem>>) offsets(%dma_start3A_102 : memref<128xi32, #tpu.memory_space<vmem>>) semaphore(%arg13 : memref<!tpu.dma_semaphore, #tpu.memory_space<semaphore_mem>>)
    %dma_start3A_106 = arith.constant 0 : i32
    %dma_start3A_107 = arith.constant 1 : i32
    %dma_start3A_108 = arith.constant 0 : i32
    %dma_start3A_109 = arith.constant 0 : i32
    %dma_start3A_110 = arith.constant 0 : i32
    %dma_start3A_111 = tpu.memref_slice %arg7[%dma_start3A_108, %dma_start3A_109, %dma_start3A_110] : memref<2x128x64xi32, #tpu.memory_space<vmem>> -> memref<1x128x64xi32, #tpu.memory_space<vmem>>
    %dma_start3A_112 = tpu.memref_squeeze %dma_start3A_111 : memref<1x128x64xi32, #tpu.memory_space<vmem>> -> memref<128x64xi32, #tpu.memory_space<vmem>>
    %dma_start3A_113 = arith.constant 0 : i32
    %dma_start3A_114 = tpu.memref_slice %arg5[%dma_start3A_106, %dma_start3A_107, %dma_start3A_113] : memref<2x2x128xi32, #tpu.memory_space<vmem>> -> memref<1x1x128xi32, #tpu.memory_space<vmem>>
    %dma_start3A_115 = tpu.memref_squeeze %dma_start3A_114 : memref<1x1x128xi32, #tpu.memory_space<vmem>> -> memref<128xi32, #tpu.memory_space<vmem>>
    %dma_start3A_116 = arith.constant 0 : i32
    %dma_start3A_117 = arith.constant 0 : i32
    %dma_start3A_118 = tpu.memref_slice %arg10[%dma_start3A_116, %dma_start3A_117] : memref<10240x64xi32, #tpu.memory_space<vmem_shared>> -> memref<10240x64xi32, #tpu.memory_space<vmem_shared>>
    tpu.enqueue_indirect_dma source(%dma_start3A_118 : memref<10240x64xi32, #tpu.memory_space<vmem_shared>>) target(%dma_start3A_112 : memref<128x64xi32, #tpu.memory_space<vmem>>) offsets(%dma_start3A_115 : memref<128xi32, #tpu.memory_space<vmem>>) semaphore(%arg13 : memref<!tpu.dma_semaphore, #tpu.memory_space<semaphore_mem>>)
    %scan3A = arith.constant 0 : i32
    %scan3A_119 = arith.constant 0 : i32
    %scan3A_120 = arith.constant 40 : i32
    %scan3A_121 = arith.addi %scan3A_119, %scan3A_120 : i32
    %scan3A_122 = arith.constant 1 : i32
    scf.for %scan3A_146 = %scan3A_119 to %scan3A_121 step %scan3A_122  : i32 {
      %mul3A_147 = arith.constant 2 : i32
      %mul3A_148 = arith.muli %mul3A_147, %scan3A_146 : i32
      %add3A_149 = arith.constant 0 : i32
      %add3A_150 = arith.addi %mul3A_148, %add3A_149 : i32
      %dma_wait3A_151 = arith.constant 0 : i32
      %dma_wait3A_152 = arith.constant 0 : i32
      %dma_wait3A_153 = arith.constant 0 : i32
      %dma_wait3A_154 = arith.constant 0 : i32
      %dma_wait3A_155 = arith.constant 0 : i32
      %dma_wait3A_156 = tpu.memref_slice %arg6[%dma_wait3A_153, %dma_wait3A_154, %dma_wait3A_155] : memref<2x128x64xi32, #tpu.memory_space<vmem>> -> memref<1x128x64xi32, #tpu.memory_space<vmem>>
      %dma_wait3A_157 = tpu.memref_squeeze %dma_wait3A_156 : memref<1x128x64xi32, #tpu.memory_space<vmem>> -> memref<128x64xi32, #tpu.memory_space<vmem>>
      %dma_wait3A_158 = arith.constant 0 : i32
      %dma_wait3A_159 = tpu.memref_slice %arg5[%dma_wait3A_151, %dma_wait3A_152, %dma_wait3A_158] : memref<2x2x128xi32, #tpu.memory_space<vmem>> -> memref<1x1x128xi32, #tpu.memory_space<vmem>>
      %dma_wait3A_160 = tpu.memref_squeeze %dma_wait3A_159 : memref<1x1x128xi32, #tpu.memory_space<vmem>> -> memref<128xi32, #tpu.memory_space<vmem>>
      %dma_wait3A_161 = arith.constant 0 : i32
      %dma_wait3A_162 = arith.constant 0 : i32
      %dma_wait3A_163 = tpu.memref_slice %arg10[%dma_wait3A_161, %dma_wait3A_162] : memref<10240x64xi32, #tpu.memory_space<vmem_shared>> -> memref<10240x64xi32, #tpu.memory_space<vmem_shared>>
      tpu.wait_indirect_dma semaphore(%arg13 : memref<!tpu.dma_semaphore, #tpu.memory_space<semaphore_mem>>) src(%dma_wait3A_163 : memref<10240x64xi32, #tpu.memory_space<vmem_shared>>) dst(%dma_wait3A_157 : memref<128x64xi32, #tpu.memory_space<vmem>>)
      %dma_wait3A_164 = arith.constant 0 : i32
      %dma_wait3A_165 = arith.constant 1 : i32
      %dma_wait3A_166 = arith.constant 0 : i32
      %dma_wait3A_167 = arith.constant 0 : i32
      %dma_wait3A_168 = arith.constant 0 : i32
      %dma_wait3A_169 = tpu.memref_slice %arg7[%dma_wait3A_166, %dma_wait3A_167, %dma_wait3A_168] : memref<2x128x64xi32, #tpu.memory_space<vmem>> -> memref<1x128x64xi32, #tpu.memory_space<vmem>>
      %dma_wait3A_170 = tpu.memref_squeeze %dma_wait3A_169 : memref<1x128x64xi32, #tpu.memory_space<vmem>> -> memref<128x64xi32, #tpu.memory_space<vmem>>
      %dma_wait3A_171 = arith.constant 0 : i32
      %dma_wait3A_172 = tpu.memref_slice %arg5[%dma_wait3A_164, %dma_wait3A_165, %dma_wait3A_171] : memref<2x2x128xi32, #tpu.memory_space<vmem>> -> memref<1x1x128xi32, #tpu.memory_space<vmem>>
      %dma_wait3A_173 = tpu.memref_squeeze %dma_wait3A_172 : memref<1x1x128xi32, #tpu.memory_space<vmem>> -> memref<128xi32, #tpu.memory_space<vmem>>
      %dma_wait3A_174 = arith.constant 0 : i32
      %dma_wait3A_175 = arith.constant 0 : i32
      %dma_wait3A_176 = tpu.memref_slice %arg10[%dma_wait3A_174, %dma_wait3A_175] : memref<10240x64xi32, #tpu.memory_space<vmem_shared>> -> memref<10240x64xi32, #tpu.memory_space<vmem_shared>>
      tpu.wait_indirect_dma semaphore(%arg13 : memref<!tpu.dma_semaphore, #tpu.memory_space<semaphore_mem>>) src(%dma_wait3A_176 : memref<10240x64xi32, #tpu.memory_space<vmem_shared>>) dst(%dma_wait3A_170 : memref<128x64xi32, #tpu.memory_space<vmem>>)
      %add3A_177 = arith.constant 2 : i32
      %add3A_178 = arith.addi %add3A_150, %add3A_177 : i32
      %lt3A = arith.constant 80 : i32
      %lt3A_179 = arith.cmpi slt, %add3A_178, %lt3A : i32
      %convert_element_type3A = arith.extui %lt3A_179 : i1 to i32
      %cond3A = arith.constant 0 : i32
      %cond3A_180 = arith.cmpi ne, %convert_element_type3A, %cond3A : i32
      scf.if %cond3A_180 {
        %add3A_299 = arith.constant 2 : i32
        %add3A_300 = arith.addi %add3A_150, %add3A_299 : i32
        %add3A_301 = arith.addi %mul3A_2, %add3A_300 : i32
        %dma_start3A_302 = arith.constant 0 : i32
        %dma_start3A_303 = arith.constant 0 : i32
        %dma_start3A_304 = arith.constant 0 : i32
        %dma_start3A_305 = tpu.memref_slice %arg5[%dma_start3A_302, %dma_start3A_303, %dma_start3A_304] : memref<2x2x128xi32, #tpu.memory_space<vmem>> -> memref<1x2x128xi32, #tpu.memory_space<vmem>>
        %dma_start3A_306 = tpu.memref_squeeze %dma_start3A_305 : memref<1x2x128xi32, #tpu.memory_space<vmem>> -> memref<2x128xi32, #tpu.memory_space<vmem>>
        %dma_start3A_307 = arith.constant 0 : i32
        %dma_start3A_308 = arith.constant 0 : i32
        %dma_start3A_309 = tpu.memref_slice %arg3[%add3A_301, %dma_start3A_307, %dma_start3A_308] : memref<2560x2x128xi32, #tpu.memory_space<hbm>> -> memref<1x2x128xi32, #tpu.memory_space<hbm>>
        %dma_start3A_310 = tpu.memref_squeeze %dma_start3A_309 : memref<1x2x128xi32, #tpu.memory_space<hbm>> -> memref<2x128xi32, #tpu.memory_space<hbm>>
        %dma_start3A_311 = arith.constant 0 : i32
        %dma_start3A_312 = arith.constant 0 : i32
        %dma_start3A_313 = tpu.memref_slice %arg5[%dma_start3A_302, %dma_start3A_311, %dma_start3A_312] : memref<2x2x128xi32, #tpu.memory_space<vmem>> -> memref<1x2x128xi32, #tpu.memory_space<vmem>>
        %dma_start3A_314 = tpu.memref_squeeze %dma_start3A_313 : memref<1x2x128xi32, #tpu.memory_space<vmem>> -> memref<2x128xi32, #tpu.memory_space<vmem>>
        %dma_start3A_315 = arith.constant 0 : i32
        %dma_start3A_316 = arith.constant 0 : i32
        %dma_start3A_317 = tpu.memref_slice %arg3[%add3A_301, %dma_start3A_315, %dma_start3A_316] : memref<2560x2x128xi32, #tpu.memory_space<hbm>> -> memref<1x2x128xi32, #tpu.memory_space<hbm>>
        %dma_start3A_318 = tpu.memref_squeeze %dma_start3A_317 : memref<1x2x128xi32, #tpu.memory_space<hbm>> -> memref<2x128xi32, #tpu.memory_space<hbm>>
        tpu.enqueue_dma source(%dma_start3A_318 : memref<2x128xi32, #tpu.memory_space<hbm>>) target(%dma_start3A_314 : memref<2x128xi32, #tpu.memory_space<vmem>>) target_semaphore(%arg11 : memref<!tpu.dma_semaphore, #tpu.memory_space<semaphore_mem>>)
      } else {
      }
      %add3A_181 = arith.constant 1 : i32
      %add3A_182 = arith.addi %add3A_150, %add3A_181 : i32
      %lt3A_183 = arith.constant 80 : i32
      %lt3A_184 = arith.cmpi slt, %add3A_182, %lt3A_183 : i32
      %convert_element_type3A_185 = arith.extui %lt3A_184 : i1 to i32
      %cond3A_186 = arith.constant 0 : i32
      %cond3A_187 = arith.cmpi ne, %convert_element_type3A_185, %cond3A_186 : i32
      scf.if %cond3A_187 {
        %dma_wait3A_299 = arith.constant 1 : i32
        %dma_wait3A_300 = arith.constant 0 : i32
        %dma_wait3A_301 = arith.constant 0 : i32
        %dma_wait3A_302 = tpu.memref_slice %arg5[%dma_wait3A_299, %dma_wait3A_300, %dma_wait3A_301] : memref<2x2x128xi32, #tpu.memory_space<vmem>> -> memref<1x2x128xi32, #tpu.memory_space<vmem>>
        %dma_wait3A_303 = tpu.memref_squeeze %dma_wait3A_302 : memref<1x2x128xi32, #tpu.memory_space<vmem>> -> memref<2x128xi32, #tpu.memory_space<vmem>>
        %dma_wait3A_304 = arith.constant 0 : i32
        %dma_wait3A_305 = arith.constant 0 : i32
        %dma_wait3A_306 = tpu.memref_slice %arg3[%mul3A_2, %dma_wait3A_304, %dma_wait3A_305] : memref<2560x2x128xi32, #tpu.memory_space<hbm>> -> memref<1x2x128xi32, #tpu.memory_space<hbm>>
        %dma_wait3A_307 = tpu.memref_squeeze %dma_wait3A_306 : memref<1x2x128xi32, #tpu.memory_space<hbm>> -> memref<2x128xi32, #tpu.memory_space<hbm>>
        %dma_wait3A_308 = arith.constant 0 : i32
        %dma_wait3A_309 = arith.constant 0 : i32
        %dma_wait3A_310 = tpu.memref_slice %arg5[%dma_wait3A_299, %dma_wait3A_308, %dma_wait3A_309] : memref<2x2x128xi32, #tpu.memory_space<vmem>> -> memref<1x2x128xi32, #tpu.memory_space<vmem>>
        %dma_wait3A_311 = tpu.memref_squeeze %dma_wait3A_310 : memref<1x2x128xi32, #tpu.memory_space<vmem>> -> memref<2x128xi32, #tpu.memory_space<vmem>>
        %dma_wait3A_312 = arith.constant 0 : i32
        %dma_wait3A_313 = arith.constant 0 : i32
        %dma_wait3A_314 = tpu.memref_slice %arg3[%mul3A_2, %dma_wait3A_312, %dma_wait3A_313] : memref<2560x2x128xi32, #tpu.memory_space<hbm>> -> memref<1x2x128xi32, #tpu.memory_space<hbm>>
        %dma_wait3A_315 = tpu.memref_squeeze %dma_wait3A_314 : memref<1x2x128xi32, #tpu.memory_space<hbm>> -> memref<2x128xi32, #tpu.memory_space<hbm>>
        tpu.wait_dma2 semaphore(%arg12 : memref<!tpu.dma_semaphore, #tpu.memory_space<semaphore_mem>>) src(%dma_wait3A_315 : memref<2x128xi32, #tpu.memory_space<hbm>>) dst(%dma_wait3A_311 : memref<2x128xi32, #tpu.memory_space<vmem>>)
        %dma_start3A_316 = arith.constant 1 : i32
        %dma_start3A_317 = arith.constant 0 : i32
        %dma_start3A_318 = arith.constant 1 : i32
        %dma_start3A_319 = arith.constant 0 : i32
        %dma_start3A_320 = arith.constant 0 : i32
        %dma_start3A_321 = tpu.memref_slice %arg6[%dma_start3A_318, %dma_start3A_319, %dma_start3A_320] : memref<2x128x64xi32, #tpu.memory_space<vmem>> -> memref<1x128x64xi32, #tpu.memory_space<vmem>>
        %dma_start3A_322 = tpu.memref_squeeze %dma_start3A_321 : memref<1x128x64xi32, #tpu.memory_space<vmem>> -> memref<128x64xi32, #tpu.memory_space<vmem>>
        %dma_start3A_323 = arith.constant 0 : i32
        %dma_start3A_324 = tpu.memref_slice %arg5[%dma_start3A_316, %dma_start3A_317, %dma_start3A_323] : memref<2x2x128xi32, #tpu.memory_space<vmem>> -> memref<1x1x128xi32, #tpu.memory_space<vmem>>
        %dma_start3A_325 = tpu.memref_squeeze %dma_start3A_324 : memref<1x1x128xi32, #tpu.memory_space<vmem>> -> memref<128xi32, #tpu.memory_space<vmem>>
        %dma_start3A_326 = arith.constant 0 : i32
        %dma_start3A_327 = arith.constant 0 : i32
        %dma_start3A_328 = tpu.memref_slice %arg10[%dma_start3A_326, %dma_start3A_327] : memref<10240x64xi32, #tpu.memory_space<vmem_shared>> -> memref<10240x64xi32, #tpu.memory_space<vmem_shared>>
        tpu.enqueue_indirect_dma source(%dma_start3A_328 : memref<10240x64xi32, #tpu.memory_space<vmem_shared>>) target(%dma_start3A_322 : memref<128x64xi32, #tpu.memory_space<vmem>>) offsets(%dma_start3A_325 : memref<128xi32, #tpu.memory_space<vmem>>) semaphore(%arg14 : memref<!tpu.dma_semaphore, #tpu.memory_space<semaphore_mem>>)
        %dma_start3A_329 = arith.constant 1 : i32
        %dma_start3A_330 = arith.constant 1 : i32
        %dma_start3A_331 = arith.constant 1 : i32
        %dma_start3A_332 = arith.constant 0 : i32
        %dma_start3A_333 = arith.constant 0 : i32
        %dma_start3A_334 = tpu.memref_slice %arg7[%dma_start3A_331, %dma_start3A_332, %dma_start3A_333] : memref<2x128x64xi32, #tpu.memory_space<vmem>> -> memref<1x128x64xi32, #tpu.memory_space<vmem>>
        %dma_start3A_335 = tpu.memref_squeeze %dma_start3A_334 : memref<1x128x64xi32, #tpu.memory_space<vmem>> -> memref<128x64xi32, #tpu.memory_space<vmem>>
        %dma_start3A_336 = arith.constant 0 : i32
        %dma_start3A_337 = tpu.memref_slice %arg5[%dma_start3A_329, %dma_start3A_330, %dma_start3A_336] : memref<2x2x128xi32, #tpu.memory_space<vmem>> -> memref<1x1x128xi32, #tpu.memory_space<vmem>>
        %dma_start3A_338 = tpu.memref_squeeze %dma_start3A_337 : memref<1x1x128xi32, #tpu.memory_space<vmem>> -> memref<128xi32, #tpu.memory_space<vmem>>
        %dma_start3A_339 = arith.constant 0 : i32
        %dma_start3A_340 = arith.constant 0 : i32
        %dma_start3A_341 = tpu.memref_slice %arg10[%dma_start3A_339, %dma_start3A_340] : memref<10240x64xi32, #tpu.memory_space<vmem_shared>> -> memref<10240x64xi32, #tpu.memory_space<vmem_shared>>
        tpu.enqueue_indirect_dma source(%dma_start3A_341 : memref<10240x64xi32, #tpu.memory_space<vmem_shared>>) target(%dma_start3A_335 : memref<128x64xi32, #tpu.memory_space<vmem>>) offsets(%dma_start3A_338 : memref<128xi32, #tpu.memory_space<vmem>>) semaphore(%arg14 : memref<!tpu.dma_semaphore, #tpu.memory_space<semaphore_mem>>)
      } else {
      }
      %ge3A = arith.constant 2 : i32
      %ge3A_188 = arith.cmpi sge, %add3A_150, %ge3A : i32
      %convert_element_type3A_189 = arith.extui %ge3A_188 : i1 to i32
      %cond3A_190 = arith.constant 0 : i32
      %cond3A_191 = arith.cmpi ne, %convert_element_type3A_189, %cond3A_190 : i32
      scf.if %cond3A_191 {
        %dma_wait3A_299 = arith.constant 0 : i32
        %dma_wait3A_300 = arith.constant 0 : i32
        %dma_wait3A_301 = tpu.memref_slice %arg8[%dma_wait3A_299, %dma_wait3A_300] : memref<2x128xf32, #tpu.memory_space<vmem>> -> memref<1x128xf32, #tpu.memory_space<vmem>>
        %dma_wait3A_302 = tpu.memref_squeeze %dma_wait3A_301 : memref<1x128xf32, #tpu.memory_space<vmem>> -> memref<128xf32, #tpu.memory_space<vmem>>
        %dma_wait3A_303 = arith.constant 0 : i32
        %dma_wait3A_304 = tpu.memref_slice %arg4[%dma_wait3A_303] : memref<327680xf32, #tpu.memory_space<hbm>> -> memref<128xf32, #tpu.memory_space<hbm>>
        %dma_wait3A_305 = arith.constant 0 : i32
        %dma_wait3A_306 = tpu.memref_slice %arg4[%dma_wait3A_305] : memref<327680xf32, #tpu.memory_space<hbm>> -> memref<128xf32, #tpu.memory_space<hbm>>
        %dma_wait3A_307 = arith.constant 0 : i32
        %dma_wait3A_308 = tpu.memref_slice %arg8[%dma_wait3A_299, %dma_wait3A_307] : memref<2x128xf32, #tpu.memory_space<vmem>> -> memref<1x128xf32, #tpu.memory_space<vmem>>
        %dma_wait3A_309 = tpu.memref_squeeze %dma_wait3A_308 : memref<1x128xf32, #tpu.memory_space<vmem>> -> memref<128xf32, #tpu.memory_space<vmem>>
        tpu.wait_dma2 semaphore(%arg15 : memref<!tpu.dma_semaphore, #tpu.memory_space<semaphore_mem>>) src(%dma_wait3A_309 : memref<128xf32, #tpu.memory_space<vmem>>) dst(%dma_wait3A_306 : memref<128xf32, #tpu.memory_space<hbm>>)
      } else {
      }
      %scan3A_192 = arith.constant 0 : i32
      %scan3A_193 = arith.constant 0 : i32
      %scan3A_194 = arith.constant 0 : i32
      %scan3A_195 = arith.constant 0 : i32
      %scan3A_196 = arith.constant 64 : i32
      %scan3A_197 = arith.addi %scan3A_195, %scan3A_196 : i32
      %scan3A_198 = arith.constant 1 : i32
      %scan3A_199 = scf.for %scan3A_299 = %scan3A_195 to %scan3A_197 step %scan3A_198 iter_args(%scan3A_300 = %scan3A_194) -> (i32)  : i32 {
        %mul3A_301 = arith.constant 2 : i32
        %mul3A_302 = arith.muli %mul3A_301, %scan3A_299 : i32
        %get3A = arith.constant 0 : i32
        %get3A_303 = arith.constant 0 : i32
        %get3A_304 = tpu.memref_slice %arg6[%scan3A_192, %get3A, %get3A_303] : memref<2x128x64xi32, #tpu.memory_space<vmem>> -> memref<1x128x64xi32, #tpu.memory_space<vmem>>
        %get3A_305 = tpu.memref_squeeze %get3A_304 : memref<1x128x64xi32, #tpu.memory_space<vmem>> -> memref<128x64xi32, #tpu.memory_space<vmem>>
        %get3A_306 = arith.index_cast %mul3A_302 : i32 to index
        %get3A_307 = arith.constant 0 : index
        %get3A_308 = tpu.vector_load %get3A_305[%get3A_306, %get3A_307] {strides = array<i32>} : memref<128x64xi32, #tpu.memory_space<vmem>>, vector<16xi32>,
        %get3A_309 = arith.constant 0 : i32
        %get3A_310 = arith.constant 0 : i32
        %get3A_311 = tpu.memref_slice %arg7[%scan3A_193, %get3A_309, %get3A_310] : memref<2x128x64xi32, #tpu.memory_space<vmem>> -> memref<1x128x64xi32, #tpu.memory_space<vmem>>
        %get3A_312 = tpu.memref_squeeze %get3A_311 : memref<1x128x64xi32, #tpu.memory_space<vmem>> -> memref<128x64xi32, #tpu.memory_space<vmem>>
        %get3A_313 = arith.index_cast %mul3A_302 : i32 to index
        %get3A_314 = arith.constant 0 : index
        %get3A_315 = tpu.vector_load %get3A_312[%get3A_313, %get3A_314] {strides = array<i32>} : memref<128x64xi32, #tpu.memory_space<vmem>>, vector<16xi32>,
        %and3A_316 = arith.constant -65536 : i32
        %and3A_317 = vector.broadcast %and3A_316 : i32 to vector<16xi32>
        %and3A_318 = arith.andi %get3A_308, %and3A_317 : vector<16xi32>
        %bitcast3A = vector.bitcast %and3A_318 : vector<16xi32> to vector<16xf32>
        %and3A_319 = arith.constant -65536 : i32
        %and3A_320 = vector.broadcast %and3A_319 : i32 to vector<16xi32>
        %and3A_321 = arith.andi %get3A_315, %and3A_320 : vector<16xi32>
        %bitcast3A_322 = vector.bitcast %and3A_321 : vector<16xi32> to vector<16xf32>
        %shift_left3A = arith.constant 16 : i32
        %shift_left3A_323 = vector.broadcast %shift_left3A : i32 to vector<16xi32>
        %shift_left3A_324 = arith.shli %get3A_308, %shift_left3A_323 : vector<16xi32>
        %bitcast3A_325 = vector.bitcast %shift_left3A_324 : vector<16xi32> to vector<16xf32>
        %shift_left3A_326 = arith.constant 16 : i32
        %shift_left3A_327 = vector.broadcast %shift_left3A_326 : i32 to vector<16xi32>
        %shift_left3A_328 = arith.shli %get3A_315, %shift_left3A_327 : vector<16xi32>
        %bitcast3A_329 = vector.bitcast %shift_left3A_328 : vector<16xi32> to vector<16xf32>
        %mul3A_330 = arith.mulf %bitcast3A, %bitcast3A_322 : vector<16xf32>
        %mul3A_331 = arith.mulf %bitcast3A_325, %bitcast3A_329 : vector<16xf32>
        %get3A_332 = arith.constant 0 : i32
        %get3A_333 = arith.constant 0 : i32
        %get3A_334 = tpu.memref_slice %arg6[%scan3A_192, %get3A_332, %get3A_333] : memref<2x128x64xi32, #tpu.memory_space<vmem>> -> memref<1x128x64xi32, #tpu.memory_space<vmem>>
        %get3A_335 = tpu.memref_squeeze %get3A_334 : memref<1x128x64xi32, #tpu.memory_space<vmem>> -> memref<128x64xi32, #tpu.memory_space<vmem>>
        %get3A_336 = arith.index_cast %mul3A_302 : i32 to index
        %get3A_337 = arith.constant 16 : index
        %get3A_338 = tpu.vector_load %get3A_335[%get3A_336, %get3A_337] {strides = array<i32>} : memref<128x64xi32, #tpu.memory_space<vmem>>, vector<16xi32>,
        %get3A_339 = arith.constant 0 : i32
        %get3A_340 = arith.constant 0 : i32
        %get3A_341 = tpu.memref_slice %arg7[%scan3A_193, %get3A_339, %get3A_340] : memref<2x128x64xi32, #tpu.memory_space<vmem>> -> memref<1x128x64xi32, #tpu.memory_space<vmem>>
        %get3A_342 = tpu.memref_squeeze %get3A_341 : memref<1x128x64xi32, #tpu.memory_space<vmem>> -> memref<128x64xi32, #tpu.memory_space<vmem>>
        %get3A_343 = arith.index_cast %mul3A_302 : i32 to index
        %get3A_344 = arith.constant 16 : index
        %get3A_345 = tpu.vector_load %get3A_342[%get3A_343, %get3A_344] {strides = array<i32>} : memref<128x64xi32, #tpu.memory_space<vmem>>, vector<16xi32>,
        %and3A_346 = arith.constant -65536 : i32
        %and3A_347 = vector.broadcast %and3A_346 : i32 to vector<16xi32>
        %and3A_348 = arith.andi %get3A_338, %and3A_347 : vector<16xi32>
        %bitcast3A_349 = vector.bitcast %and3A_348 : vector<16xi32> to vector<16xf32>
        %and3A_350 = arith.constant -65536 : i32
        %and3A_351 = vector.broadcast %and3A_350 : i32 to vector<16xi32>
        %and3A_352 = arith.andi %get3A_345, %and3A_351 : vector<16xi32>
        %bitcast3A_353 = vector.bitcast %and3A_352 : vector<16xi32> to vector<16xf32>
        %shift_left3A_354 = arith.constant 16 : i32
        %shift_left3A_355 = vector.broadcast %shift_left3A_354 : i32 to vector<16xi32>
        %shift_left3A_356 = arith.shli %get3A_338, %shift_left3A_355 : vector<16xi32>
        %bitcast3A_357 = vector.bitcast %shift_left3A_356 : vector<16xi32> to vector<16xf32>
        %shift_left3A_358 = arith.constant 16 : i32
        %shift_left3A_359 = vector.broadcast %shift_left3A_358 : i32 to vector<16xi32>
        %shift_left3A_360 = arith.shli %get3A_345, %shift_left3A_359 : vector<16xi32>
        %bitcast3A_361 = vector.bitcast %shift_left3A_360 : vector<16xi32> to vector<16xf32>
        %mul3A_362 = arith.mulf %bitcast3A_349, %bitcast3A_353 : vector<16xf32>
        %add3A_363 = arith.addf %mul3A_330, %mul3A_362 : vector<16xf32>
        %mul3A_364 = arith.mulf %bitcast3A_357, %bitcast3A_361 : vector<16xf32>
        %add3A_365 = arith.addf %mul3A_331, %mul3A_364 : vector<16xf32>
        %get3A_366 = arith.constant 0 : i32
        %get3A_367 = arith.constant 0 : i32
        %get3A_368 = tpu.memref_slice %arg6[%scan3A_192, %get3A_366, %get3A_367] : memref<2x128x64xi32, #tpu.memory_space<vmem>> -> memref<1x128x64xi32, #tpu.memory_space<vmem>>
        %get3A_369 = tpu.memref_squeeze %get3A_368 : memref<1x128x64xi32, #tpu.memory_space<vmem>> -> memref<128x64xi32, #tpu.memory_space<vmem>>
        %get3A_370 = arith.index_cast %mul3A_302 : i32 to index
        %get3A_371 = arith.constant 32 : index
        %get3A_372 = tpu.vector_load %get3A_369[%get3A_370, %get3A_371] {strides = array<i32>} : memref<128x64xi32, #tpu.memory_space<vmem>>, vector<16xi32>,
        %get3A_373 = arith.constant 0 : i32
        %get3A_374 = arith.constant 0 : i32
        %get3A_375 = tpu.memref_slice %arg7[%scan3A_193, %get3A_373, %get3A_374] : memref<2x128x64xi32, #tpu.memory_space<vmem>> -> memref<1x128x64xi32, #tpu.memory_space<vmem>>
        %get3A_376 = tpu.memref_squeeze %get3A_375 : memref<1x128x64xi32, #tpu.memory_space<vmem>> -> memref<128x64xi32, #tpu.memory_space<vmem>>
        %get3A_377 = arith.index_cast %mul3A_302 : i32 to index
        %get3A_378 = arith.constant 32 : index
        %get3A_379 = tpu.vector_load %get3A_376[%get3A_377, %get3A_378] {strides = array<i32>} : memref<128x64xi32, #tpu.memory_space<vmem>>, vector<16xi32>,
        %and3A_380 = arith.constant -65536 : i32
        %and3A_381 = vector.broadcast %and3A_380 : i32 to vector<16xi32>
        %and3A_382 = arith.andi %get3A_372, %and3A_381 : vector<16xi32>
        %bitcast3A_383 = vector.bitcast %and3A_382 : vector<16xi32> to vector<16xf32>
        %and3A_384 = arith.constant -65536 : i32
        %and3A_385 = vector.broadcast %and3A_384 : i32 to vector<16xi32>
        %and3A_386 = arith.andi %get3A_379, %and3A_385 : vector<16xi32>
        %bitcast3A_387 = vector.bitcast %and3A_386 : vector<16xi32> to vector<16xf32>
        %shift_left3A_388 = arith.constant 16 : i32
        %shift_left3A_389 = vector.broadcast %shift_left3A_388 : i32 to vector<16xi32>
        %shift_left3A_390 = arith.shli %get3A_372, %shift_left3A_389 : vector<16xi32>
        %bitcast3A_391 = vector.bitcast %shift_left3A_390 : vector<16xi32> to vector<16xf32>
        %shift_left3A_392 = arith.constant 16 : i32
        %shift_left3A_393 = vector.broadcast %shift_left3A_392 : i32 to vector<16xi32>
        %shift_left3A_394 = arith.shli %get3A_379, %shift_left3A_393 : vector<16xi32>
        %bitcast3A_395 = vector.bitcast %shift_left3A_394 : vector<16xi32> to vector<16xf32>
        %mul3A_396 = arith.mulf %bitcast3A_383, %bitcast3A_387 : vector<16xf32>
        %add3A_397 = arith.addf %add3A_363, %mul3A_396 : vector<16xf32>
        %mul3A_398 = arith.mulf %bitcast3A_391, %bitcast3A_395 : vector<16xf32>
        %add3A_399 = arith.addf %add3A_365, %mul3A_398 : vector<16xf32>
        %get3A_400 = arith.constant 0 : i32
        %get3A_401 = arith.constant 0 : i32
        %get3A_402 = tpu.memref_slice %arg6[%scan3A_192, %get3A_400, %get3A_401] : memref<2x128x64xi32, #tpu.memory_space<vmem>> -> memref<1x128x64xi32, #tpu.memory_space<vmem>>
        %get3A_403 = tpu.memref_squeeze %get3A_402 : memref<1x128x64xi32, #tpu.memory_space<vmem>> -> memref<128x64xi32, #tpu.memory_space<vmem>>
        %get3A_404 = arith.index_cast %mul3A_302 : i32 to index
        %get3A_405 = arith.constant 48 : index
        %get3A_406 = tpu.vector_load %get3A_403[%get3A_404, %get3A_405] {strides = array<i32>} : memref<128x64xi32, #tpu.memory_space<vmem>>, vector<16xi32>,
        %get3A_407 = arith.constant 0 : i32
        %get3A_408 = arith.constant 0 : i32
        %get3A_409 = tpu.memref_slice %arg7[%scan3A_193, %get3A_407, %get3A_408] : memref<2x128x64xi32, #tpu.memory_space<vmem>> -> memref<1x128x64xi32, #tpu.memory_space<vmem>>
        %get3A_410 = tpu.memref_squeeze %get3A_409 : memref<1x128x64xi32, #tpu.memory_space<vmem>> -> memref<128x64xi32, #tpu.memory_space<vmem>>
        %get3A_411 = arith.index_cast %mul3A_302 : i32 to index
        %get3A_412 = arith.constant 48 : index
        %get3A_413 = tpu.vector_load %get3A_410[%get3A_411, %get3A_412] {strides = array<i32>} : memref<128x64xi32, #tpu.memory_space<vmem>>, vector<16xi32>,
        %and3A_414 = arith.constant -65536 : i32
        %and3A_415 = vector.broadcast %and3A_414 : i32 to vector<16xi32>
        %and3A_416 = arith.andi %get3A_406, %and3A_415 : vector<16xi32>
        %bitcast3A_417 = vector.bitcast %and3A_416 : vector<16xi32> to vector<16xf32>
        %and3A_418 = arith.constant -65536 : i32
        %and3A_419 = vector.broadcast %and3A_418 : i32 to vector<16xi32>
        %and3A_420 = arith.andi %get3A_413, %and3A_419 : vector<16xi32>
        %bitcast3A_421 = vector.bitcast %and3A_420 : vector<16xi32> to vector<16xf32>
        %shift_left3A_422 = arith.constant 16 : i32
        %shift_left3A_423 = vector.broadcast %shift_left3A_422 : i32 to vector<16xi32>
        %shift_left3A_424 = arith.shli %get3A_406, %shift_left3A_423 : vector<16xi32>
        %bitcast3A_425 = vector.bitcast %shift_left3A_424 : vector<16xi32> to vector<16xf32>
        %shift_left3A_426 = arith.constant 16 : i32
        %shift_left3A_427 = vector.broadcast %shift_left3A_426 : i32 to vector<16xi32>
        %shift_left3A_428 = arith.shli %get3A_413, %shift_left3A_427 : vector<16xi32>
        %bitcast3A_429 = vector.bitcast %shift_left3A_428 : vector<16xi32> to vector<16xf32>
        %mul3A_430 = arith.mulf %bitcast3A_417, %bitcast3A_421 : vector<16xf32>
        %add3A_431 = arith.addf %add3A_397, %mul3A_430 : vector<16xf32>
        %mul3A_432 = arith.mulf %bitcast3A_425, %bitcast3A_429 : vector<16xf32>
        %add3A_433 = arith.addf %add3A_399, %mul3A_432 : vector<16xf32>
        %add3A_434 = arith.addf %add3A_431, %add3A_433 : vector<16xf32>
        %add3A_435 = arith.constant 1 : i32
        %add3A_436 = arith.addi %mul3A_302, %add3A_435 : i32
        %get3A_437 = arith.constant 0 : i32
        %get3A_438 = arith.constant 0 : i32
        %get3A_439 = tpu.memref_slice %arg6[%scan3A_192, %get3A_437, %get3A_438] : memref<2x128x64xi32, #tpu.memory_space<vmem>> -> memref<1x128x64xi32, #tpu.memory_space<vmem>>
        %get3A_440 = tpu.memref_squeeze %get3A_439 : memref<1x128x64xi32, #tpu.memory_space<vmem>> -> memref<128x64xi32, #tpu.memory_space<vmem>>
        %get3A_441 = arith.index_cast %add3A_436 : i32 to index
        %get3A_442 = arith.constant 0 : index
        %get3A_443 = tpu.vector_load %get3A_440[%get3A_441, %get3A_442] {strides = array<i32>} : memref<128x64xi32, #tpu.memory_space<vmem>>, vector<16xi32>,
        %get3A_444 = arith.constant 0 : i32
        %get3A_445 = arith.constant 0 : i32
        %get3A_446 = tpu.memref_slice %arg7[%scan3A_193, %get3A_444, %get3A_445] : memref<2x128x64xi32, #tpu.memory_space<vmem>> -> memref<1x128x64xi32, #tpu.memory_space<vmem>>
        %get3A_447 = tpu.memref_squeeze %get3A_446 : memref<1x128x64xi32, #tpu.memory_space<vmem>> -> memref<128x64xi32, #tpu.memory_space<vmem>>
        %get3A_448 = arith.index_cast %add3A_436 : i32 to index
        %get3A_449 = arith.constant 0 : index
        %get3A_450 = tpu.vector_load %get3A_447[%get3A_448, %get3A_449] {strides = array<i32>} : memref<128x64xi32, #tpu.memory_space<vmem>>, vector<16xi32>,
        %and3A_451 = arith.constant -65536 : i32
        %and3A_452 = vector.broadcast %and3A_451 : i32 to vector<16xi32>
        %and3A_453 = arith.andi %get3A_443, %and3A_452 : vector<16xi32>
        %bitcast3A_454 = vector.bitcast %and3A_453 : vector<16xi32> to vector<16xf32>
        %and3A_455 = arith.constant -65536 : i32
        %and3A_456 = vector.broadcast %and3A_455 : i32 to vector<16xi32>
        %and3A_457 = arith.andi %get3A_450, %and3A_456 : vector<16xi32>
        %bitcast3A_458 = vector.bitcast %and3A_457 : vector<16xi32> to vector<16xf32>
        %shift_left3A_459 = arith.constant 16 : i32
        %shift_left3A_460 = vector.broadcast %shift_left3A_459 : i32 to vector<16xi32>
        %shift_left3A_461 = arith.shli %get3A_443, %shift_left3A_460 : vector<16xi32>
        %bitcast3A_462 = vector.bitcast %shift_left3A_461 : vector<16xi32> to vector<16xf32>
        %shift_left3A_463 = arith.constant 16 : i32
        %shift_left3A_464 = vector.broadcast %shift_left3A_463 : i32 to vector<16xi32>
        %shift_left3A_465 = arith.shli %get3A_450, %shift_left3A_464 : vector<16xi32>
        %bitcast3A_466 = vector.bitcast %shift_left3A_465 : vector<16xi32> to vector<16xf32>
        %mul3A_467 = arith.mulf %bitcast3A_454, %bitcast3A_458 : vector<16xf32>
        %mul3A_468 = arith.mulf %bitcast3A_462, %bitcast3A_466 : vector<16xf32>
        %get3A_469 = arith.constant 0 : i32
        %get3A_470 = arith.constant 0 : i32
        %get3A_471 = tpu.memref_slice %arg6[%scan3A_192, %get3A_469, %get3A_470] : memref<2x128x64xi32, #tpu.memory_space<vmem>> -> memref<1x128x64xi32, #tpu.memory_space<vmem>>
        %get3A_472 = tpu.memref_squeeze %get3A_471 : memref<1x128x64xi32, #tpu.memory_space<vmem>> -> memref<128x64xi32, #tpu.memory_space<vmem>>
        %get3A_473 = arith.index_cast %add3A_436 : i32 to index
        %get3A_474 = arith.constant 16 : index
        %get3A_475 = tpu.vector_load %get3A_472[%get3A_473, %get3A_474] {strides = array<i32>} : memref<128x64xi32, #tpu.memory_space<vmem>>, vector<16xi32>,
        %get3A_476 = arith.constant 0 : i32
        %get3A_477 = arith.constant 0 : i32
        %get3A_478 = tpu.memref_slice %arg7[%scan3A_193, %get3A_476, %get3A_477] : memref<2x128x64xi32, #tpu.memory_space<vmem>> -> memref<1x128x64xi32, #tpu.memory_space<vmem>>
        %get3A_479 = tpu.memref_squeeze %get3A_478 : memref<1x128x64xi32, #tpu.memory_space<vmem>> -> memref<128x64xi32, #tpu.memory_space<vmem>>
        %get3A_480 = arith.index_cast %add3A_436 : i32 to index
        %get3A_481 = arith.constant 16 : index
        %get3A_482 = tpu.vector_load %get3A_479[%get3A_480, %get3A_481] {strides = array<i32>} : memref<128x64xi32, #tpu.memory_space<vmem>>, vector<16xi32>,
        %and3A_483 = arith.constant -65536 : i32
        %and3A_484 = vector.broadcast %and3A_483 : i32 to vector<16xi32>
        %and3A_485 = arith.andi %get3A_475, %and3A_484 : vector<16xi32>
        %bitcast3A_486 = vector.bitcast %and3A_485 : vector<16xi32> to vector<16xf32>
        %and3A_487 = arith.constant -65536 : i32
        %and3A_488 = vector.broadcast %and3A_487 : i32 to vector<16xi32>
        %and3A_489 = arith.andi %get3A_482, %and3A_488 : vector<16xi32>
        %bitcast3A_490 = vector.bitcast %and3A_489 : vector<16xi32> to vector<16xf32>
        %shift_left3A_491 = arith.constant 16 : i32
        %shift_left3A_492 = vector.broadcast %shift_left3A_491 : i32 to vector<16xi32>
        %shift_left3A_493 = arith.shli %get3A_475, %shift_left3A_492 : vector<16xi32>
        %bitcast3A_494 = vector.bitcast %shift_left3A_493 : vector<16xi32> to vector<16xf32>
        %shift_left3A_495 = arith.constant 16 : i32
        %shift_left3A_496 = vector.broadcast %shift_left3A_495 : i32 to vector<16xi32>
        %shift_left3A_497 = arith.shli %get3A_482, %shift_left3A_496 : vector<16xi32>
        %bitcast3A_498 = vector.bitcast %shift_left3A_497 : vector<16xi32> to vector<16xf32>
        %mul3A_499 = arith.mulf %bitcast3A_486, %bitcast3A_490 : vector<16xf32>
        %add3A_500 = arith.addf %mul3A_467, %mul3A_499 : vector<16xf32>
        %mul3A_501 = arith.mulf %bitcast3A_494, %bitcast3A_498 : vector<16xf32>
        %add3A_502 = arith.addf %mul3A_468, %mul3A_501 : vector<16xf32>
        %get3A_503 = arith.constant 0 : i32
        %get3A_504 = arith.constant 0 : i32
        %get3A_505 = tpu.memref_slice %arg6[%scan3A_192, %get3A_503, %get3A_504] : memref<2x128x64xi32, #tpu.memory_space<vmem>> -> memref<1x128x64xi32, #tpu.memory_space<vmem>>
        %get3A_506 = tpu.memref_squeeze %get3A_505 : memref<1x128x64xi32, #tpu.memory_space<vmem>> -> memref<128x64xi32, #tpu.memory_space<vmem>>
        %get3A_507 = arith.index_cast %add3A_436 : i32 to index
        %get3A_508 = arith.constant 32 : index
        %get3A_509 = tpu.vector_load %get3A_506[%get3A_507, %get3A_508] {strides = array<i32>} : memref<128x64xi32, #tpu.memory_space<vmem>>, vector<16xi32>,
        %get3A_510 = arith.constant 0 : i32
        %get3A_511 = arith.constant 0 : i32
        %get3A_512 = tpu.memref_slice %arg7[%scan3A_193, %get3A_510, %get3A_511] : memref<2x128x64xi32, #tpu.memory_space<vmem>> -> memref<1x128x64xi32, #tpu.memory_space<vmem>>
        %get3A_513 = tpu.memref_squeeze %get3A_512 : memref<1x128x64xi32, #tpu.memory_space<vmem>> -> memref<128x64xi32, #tpu.memory_space<vmem>>
        %get3A_514 = arith.index_cast %add3A_436 : i32 to index
        %get3A_515 = arith.constant 32 : index
        %get3A_516 = tpu.vector_load %get3A_513[%get3A_514, %get3A_515] {strides = array<i32>} : memref<128x64xi32, #tpu.memory_space<vmem>>, vector<16xi32>,
        %and3A_517 = arith.constant -65536 : i32
        %and3A_518 = vector.broadcast %and3A_517 : i32 to vector<16xi32>
        %and3A_519 = arith.andi %get3A_509, %and3A_518 : vector<16xi32>
        %bitcast3A_520 = vector.bitcast %and3A_519 : vector<16xi32> to vector<16xf32>
        %and3A_521 = arith.constant -65536 : i32
        %and3A_522 = vector.broadcast %and3A_521 : i32 to vector<16xi32>
        %and3A_523 = arith.andi %get3A_516, %and3A_522 : vector<16xi32>
        %bitcast3A_524 = vector.bitcast %and3A_523 : vector<16xi32> to vector<16xf32>
        %shift_left3A_525 = arith.constant 16 : i32
        %shift_left3A_526 = vector.broadcast %shift_left3A_525 : i32 to vector<16xi32>
        %shift_left3A_527 = arith.shli %get3A_509, %shift_left3A_526 : vector<16xi32>
        %bitcast3A_528 = vector.bitcast %shift_left3A_527 : vector<16xi32> to vector<16xf32>
        %shift_left3A_529 = arith.constant 16 : i32
        %shift_left3A_530 = vector.broadcast %shift_left3A_529 : i32 to vector<16xi32>
        %shift_left3A_531 = arith.shli %get3A_516, %shift_left3A_530 : vector<16xi32>
        %bitcast3A_532 = vector.bitcast %shift_left3A_531 : vector<16xi32> to vector<16xf32>
        %mul3A_533 = arith.mulf %bitcast3A_520, %bitcast3A_524 : vector<16xf32>
        %add3A_534 = arith.addf %add3A_500, %mul3A_533 : vector<16xf32>
        %mul3A_535 = arith.mulf %bitcast3A_528, %bitcast3A_532 : vector<16xf32>
        %add3A_536 = arith.addf %add3A_502, %mul3A_535 : vector<16xf32>
        %get3A_537 = arith.constant 0 : i32
        %get3A_538 = arith.constant 0 : i32
        %get3A_539 = tpu.memref_slice %arg6[%scan3A_192, %get3A_537, %get3A_538] : memref<2x128x64xi32, #tpu.memory_space<vmem>> -> memref<1x128x64xi32, #tpu.memory_space<vmem>>
        %get3A_540 = tpu.memref_squeeze %get3A_539 : memref<1x128x64xi32, #tpu.memory_space<vmem>> -> memref<128x64xi32, #tpu.memory_space<vmem>>
        %get3A_541 = arith.index_cast %add3A_436 : i32 to index
        %get3A_542 = arith.constant 48 : index
        %get3A_543 = tpu.vector_load %get3A_540[%get3A_541, %get3A_542] {strides = array<i32>} : memref<128x64xi32, #tpu.memory_space<vmem>>, vector<16xi32>,
        %get3A_544 = arith.constant 0 : i32
        %get3A_545 = arith.constant 0 : i32
        %get3A_546 = tpu.memref_slice %arg7[%scan3A_193, %get3A_544, %get3A_545] : memref<2x128x64xi32, #tpu.memory_space<vmem>> -> memref<1x128x64xi32, #tpu.memory_space<vmem>>
        %get3A_547 = tpu.memref_squeeze %get3A_546 : memref<1x128x64xi32, #tpu.memory_space<vmem>> -> memref<128x64xi32, #tpu.memory_space<vmem>>
        %get3A_548 = arith.index_cast %add3A_436 : i32 to index
        %get3A_549 = arith.constant 48 : index
        %get3A_550 = tpu.vector_load %get3A_547[%get3A_548, %get3A_549] {strides = array<i32>} : memref<128x64xi32, #tpu.memory_space<vmem>>, vector<16xi32>,
        %and3A_551 = arith.constant -65536 : i32
        %and3A_552 = vector.broadcast %and3A_551 : i32 to vector<16xi32>
        %and3A_553 = arith.andi %get3A_543, %and3A_552 : vector<16xi32>
        %bitcast3A_554 = vector.bitcast %and3A_553 : vector<16xi32> to vector<16xf32>
        %and3A_555 = arith.constant -65536 : i32
        %and3A_556 = vector.broadcast %and3A_555 : i32 to vector<16xi32>
        %and3A_557 = arith.andi %get3A_550, %and3A_556 : vector<16xi32>
        %bitcast3A_558 = vector.bitcast %and3A_557 : vector<16xi32> to vector<16xf32>
        %shift_left3A_559 = arith.constant 16 : i32
        %shift_left3A_560 = vector.broadcast %shift_left3A_559 : i32 to vector<16xi32>
        %shift_left3A_561 = arith.shli %get3A_543, %shift_left3A_560 : vector<16xi32>
        %bitcast3A_562 = vector.bitcast %shift_left3A_561 : vector<16xi32> to vector<16xf32>
        %shift_left3A_563 = arith.constant 16 : i32
        %shift_left3A_564 = vector.broadcast %shift_left3A_563 : i32 to vector<16xi32>
        %shift_left3A_565 = arith.shli %get3A_550, %shift_left3A_564 : vector<16xi32>
        %bitcast3A_566 = vector.bitcast %shift_left3A_565 : vector<16xi32> to vector<16xf32>
        %mul3A_567 = arith.mulf %bitcast3A_554, %bitcast3A_558 : vector<16xf32>
        %add3A_568 = arith.addf %add3A_534, %mul3A_567 : vector<16xf32>
        %mul3A_569 = arith.mulf %bitcast3A_562, %bitcast3A_566 : vector<16xf32>
        %add3A_570 = arith.addf %add3A_536, %mul3A_569 : vector<16xf32>
        %add3A_571 = arith.addf %add3A_568, %add3A_570 : vector<16xf32>
        %broadcast_in_dim3A = vector.shape_cast %xor3A_4 : vector<16xi32> to vector<16x1xi32>
        %gather3A = vector.shape_cast %broadcast_in_dim3A : vector<16x1xi32> to vector<16xi32>
        %gather3A_572 = tpu.dynamic_gather %add3A_434[%gather3A] in [0] : vector<16xf32>, vector<16xi32> -> vector<16xf32>
        %broadcast_in_dim3A_573 = vector.shape_cast %xor3A_4 : vector<16xi32> to vector<16x1xi32>
        %gather3A_574 = vector.shape_cast %broadcast_in_dim3A_573 : vector<16x1xi32> to vector<16xi32>
        %gather3A_575 = tpu.dynamic_gather %add3A_571[%gather3A_574] in [0] : vector<16xf32>, vector<16xi32> -> vector<16xf32>
        %select_n3A = arith.select %eq3A_17, %add3A_434, %gather3A_575 : vector<16xi1>, vector<16xf32>
        %select_n3A_576 = arith.select %eq3A_17, %gather3A_572, %add3A_571 : vector<16xi1>, vector<16xf32>
        %add3A_577 = arith.addf %select_n3A, %select_n3A_576 : vector<16xf32>
        %swap3A = arith.index_cast %scan3A_299 : i32 to index
        %swap3A_578 = arith.constant 0 : index
        %swap3A_579 = tpu.vector_load %arg9[%swap3A, %swap3A_578] {strides = array<i32>} : memref<64x16xf32, #tpu.memory_space<vmem>>, vector<16xf32>,
        tpu.vector_store %arg9[%swap3A, %swap3A_578], %add3A_577 {strides = array<i32>} : memref<64x16xf32, #tpu.memory_space<vmem>>, vector<16xf32>,
        %scan3A_580 = arith.constant 0 : i32
        scf.yield %scan3A_580 : i32
      }
      %scan3A_200 = arith.constant 64 : i32
      %scan3A_201 = arith.constant 0 : i32
      %scan3A_202 = arith.constant 0 : i32
      %scan3A_203 = arith.constant 0 : i32
      %scan3A_204 = arith.constant 8 : i32
      %scan3A_205 = arith.addi %scan3A_203, %scan3A_204 : i32
      %scan3A_206 = arith.constant 1 : i32
      %scan3A_207 = scf.for %scan3A_299 = %scan3A_203 to %scan3A_205 step %scan3A_206 iter_args(%scan3A_300 = %scan3A_202) -> (i32)  : i32 {
        %mul3A_301 = arith.constant 8 : i32
        %mul3A_302 = arith.muli %scan3A_299, %mul3A_301 : i32
        %add3A_303 = arith.constant 0 : i32
        %add3A_304 = arith.addi %mul3A_302, %add3A_303 : i32
        %get3A = arith.index_cast %add3A_304 : i32 to index
        %get3A_305 = arith.constant 0 : index
        %get3A_306 = tpu.vector_load %arg9[%get3A, %get3A_305] {strides = array<i32>} : memref<64x16xf32, #tpu.memory_space<vmem>>, vector<16xf32>,
        %add3A_307 = arith.constant 1 : i32
        %add3A_308 = arith.addi %mul3A_302, %add3A_307 : i32
        %get3A_309 = arith.index_cast %add3A_308 : i32 to index
        %get3A_310 = arith.constant 0 : index
        %get3A_311 = tpu.vector_load %arg9[%get3A_309, %get3A_310] {strides = array<i32>} : memref<64x16xf32, #tpu.memory_space<vmem>>, vector<16xf32>,
        %broadcast_in_dim3A = vector.shape_cast %xor3A_7 : vector<16xi32> to vector<16x1xi32>
        %gather3A = vector.shape_cast %broadcast_in_dim3A : vector<16x1xi32> to vector<16xi32>
        %gather3A_312 = tpu.dynamic_gather %get3A_306[%gather3A] in [0] : vector<16xf32>, vector<16xi32> -> vector<16xf32>
        %broadcast_in_dim3A_313 = vector.shape_cast %xor3A_7 : vector<16xi32> to vector<16x1xi32>
        %gather3A_314 = vector.shape_cast %broadcast_in_dim3A_313 : vector<16x1xi32> to vector<16xi32>
        %gather3A_315 = tpu.dynamic_gather %get3A_311[%gather3A_314] in [0] : vector<16xf32>, vector<16xi32> -> vector<16xf32>
        %select_n3A = arith.select %eq3A_23, %get3A_306, %gather3A_315 : vector<16xi1>, vector<16xf32>
        %select_n3A_316 = arith.select %eq3A_23, %gather3A_312, %get3A_311 : vector<16xi1>, vector<16xf32>
        %add3A_317 = arith.addf %select_n3A, %select_n3A_316 : vector<16xf32>
        %add3A_318 = arith.constant 2 : i32
        %add3A_319 = arith.addi %mul3A_302, %add3A_318 : i32
        %get3A_320 = arith.index_cast %add3A_319 : i32 to index
        %get3A_321 = arith.constant 0 : index
        %get3A_322 = tpu.vector_load %arg9[%get3A_320, %get3A_321] {strides = array<i32>} : memref<64x16xf32, #tpu.memory_space<vmem>>, vector<16xf32>,
        %add3A_323 = arith.constant 3 : i32
        %add3A_324 = arith.addi %mul3A_302, %add3A_323 : i32
        %get3A_325 = arith.index_cast %add3A_324 : i32 to index
        %get3A_326 = arith.constant 0 : index
        %get3A_327 = tpu.vector_load %arg9[%get3A_325, %get3A_326] {strides = array<i32>} : memref<64x16xf32, #tpu.memory_space<vmem>>, vector<16xf32>,
        %broadcast_in_dim3A_328 = vector.shape_cast %xor3A_7 : vector<16xi32> to vector<16x1xi32>
        %gather3A_329 = vector.shape_cast %broadcast_in_dim3A_328 : vector<16x1xi32> to vector<16xi32>
        %gather3A_330 = tpu.dynamic_gather %get3A_322[%gather3A_329] in [0] : vector<16xf32>, vector<16xi32> -> vector<16xf32>
        %broadcast_in_dim3A_331 = vector.shape_cast %xor3A_7 : vector<16xi32> to vector<16x1xi32>
        %gather3A_332 = vector.shape_cast %broadcast_in_dim3A_331 : vector<16x1xi32> to vector<16xi32>
        %gather3A_333 = tpu.dynamic_gather %get3A_327[%gather3A_332] in [0] : vector<16xf32>, vector<16xi32> -> vector<16xf32>
        %select_n3A_334 = arith.select %eq3A_23, %get3A_322, %gather3A_333 : vector<16xi1>, vector<16xf32>
        %select_n3A_335 = arith.select %eq3A_23, %gather3A_330, %get3A_327 : vector<16xi1>, vector<16xf32>
        %add3A_336 = arith.addf %select_n3A_334, %select_n3A_335 : vector<16xf32>
        %add3A_337 = arith.constant 4 : i32
        %add3A_338 = arith.addi %mul3A_302, %add3A_337 : i32
        %get3A_339 = arith.index_cast %add3A_338 : i32 to index
        %get3A_340 = arith.constant 0 : index
        %get3A_341 = tpu.vector_load %arg9[%get3A_339, %get3A_340] {strides = array<i32>} : memref<64x16xf32, #tpu.memory_space<vmem>>, vector<16xf32>,
        %add3A_342 = arith.constant 5 : i32
        %add3A_343 = arith.addi %mul3A_302, %add3A_342 : i32
        %get3A_344 = arith.index_cast %add3A_343 : i32 to index
        %get3A_345 = arith.constant 0 : index
        %get3A_346 = tpu.vector_load %arg9[%get3A_344, %get3A_345] {strides = array<i32>} : memref<64x16xf32, #tpu.memory_space<vmem>>, vector<16xf32>,
        %broadcast_in_dim3A_347 = vector.shape_cast %xor3A_7 : vector<16xi32> to vector<16x1xi32>
        %gather3A_348 = vector.shape_cast %broadcast_in_dim3A_347 : vector<16x1xi32> to vector<16xi32>
        %gather3A_349 = tpu.dynamic_gather %get3A_341[%gather3A_348] in [0] : vector<16xf32>, vector<16xi32> -> vector<16xf32>
        %broadcast_in_dim3A_350 = vector.shape_cast %xor3A_7 : vector<16xi32> to vector<16x1xi32>
        %gather3A_351 = vector.shape_cast %broadcast_in_dim3A_350 : vector<16x1xi32> to vector<16xi32>
        %gather3A_352 = tpu.dynamic_gather %get3A_346[%gather3A_351] in [0] : vector<16xf32>, vector<16xi32> -> vector<16xf32>
        %select_n3A_353 = arith.select %eq3A_23, %get3A_341, %gather3A_352 : vector<16xi1>, vector<16xf32>
        %select_n3A_354 = arith.select %eq3A_23, %gather3A_349, %get3A_346 : vector<16xi1>, vector<16xf32>
        %add3A_355 = arith.addf %select_n3A_353, %select_n3A_354 : vector<16xf32>
        %add3A_356 = arith.constant 6 : i32
        %add3A_357 = arith.addi %mul3A_302, %add3A_356 : i32
        %get3A_358 = arith.index_cast %add3A_357 : i32 to index
        %get3A_359 = arith.constant 0 : index
        %get3A_360 = tpu.vector_load %arg9[%get3A_358, %get3A_359] {strides = array<i32>} : memref<64x16xf32, #tpu.memory_space<vmem>>, vector<16xf32>,
        %add3A_361 = arith.constant 7 : i32
        %add3A_362 = arith.addi %mul3A_302, %add3A_361 : i32
        %get3A_363 = arith.index_cast %add3A_362 : i32 to index
        %get3A_364 = arith.constant 0 : index
        %get3A_365 = tpu.vector_load %arg9[%get3A_363, %get3A_364] {strides = array<i32>} : memref<64x16xf32, #tpu.memory_space<vmem>>, vector<16xf32>,
        %broadcast_in_dim3A_366 = vector.shape_cast %xor3A_7 : vector<16xi32> to vector<16x1xi32>
        %gather3A_367 = vector.shape_cast %broadcast_in_dim3A_366 : vector<16x1xi32> to vector<16xi32>
        %gather3A_368 = tpu.dynamic_gather %get3A_360[%gather3A_367] in [0] : vector<16xf32>, vector<16xi32> -> vector<16xf32>
        %broadcast_in_dim3A_369 = vector.shape_cast %xor3A_7 : vector<16xi32> to vector<16x1xi32>
        %gather3A_370 = vector.shape_cast %broadcast_in_dim3A_369 : vector<16x1xi32> to vector<16xi32>
        %gather3A_371 = tpu.dynamic_gather %get3A_365[%gather3A_370] in [0] : vector<16xf32>, vector<16xi32> -> vector<16xf32>
        %select_n3A_372 = arith.select %eq3A_23, %get3A_360, %gather3A_371 : vector<16xi1>, vector<16xf32>
        %select_n3A_373 = arith.select %eq3A_23, %gather3A_368, %get3A_365 : vector<16xi1>, vector<16xf32>
        %add3A_374 = arith.addf %select_n3A_372, %select_n3A_373 : vector<16xf32>
        %broadcast_in_dim3A_375 = vector.shape_cast %xor3A_10 : vector<16xi32> to vector<16x1xi32>
        %gather3A_376 = vector.shape_cast %broadcast_in_dim3A_375 : vector<16x1xi32> to vector<16xi32>
        %gather3A_377 = tpu.dynamic_gather %add3A_317[%gather3A_376] in [0] : vector<16xf32>, vector<16xi32> -> vector<16xf32>
        %broadcast_in_dim3A_378 = vector.shape_cast %xor3A_10 : vector<16xi32> to vector<16x1xi32>
        %gather3A_379 = vector.shape_cast %broadcast_in_dim3A_378 : vector<16x1xi32> to vector<16xi32>
        %gather3A_380 = tpu.dynamic_gather %add3A_336[%gather3A_379] in [0] : vector<16xf32>, vector<16xi32> -> vector<16xf32>
        %select_n3A_381 = arith.select %eq3A_29, %add3A_317, %gather3A_380 : vector<16xi1>, vector<16xf32>
        %select_n3A_382 = arith.select %eq3A_29, %gather3A_377, %add3A_336 : vector<16xi1>, vector<16xf32>
        %add3A_383 = arith.addf %select_n3A_381, %select_n3A_382 : vector<16xf32>
        %broadcast_in_dim3A_384 = vector.shape_cast %xor3A_10 : vector<16xi32> to vector<16x1xi32>
        %gather3A_385 = vector.shape_cast %broadcast_in_dim3A_384 : vector<16x1xi32> to vector<16xi32>
        %gather3A_386 = tpu.dynamic_gather %add3A_355[%gather3A_385] in [0] : vector<16xf32>, vector<16xi32> -> vector<16xf32>
        %broadcast_in_dim3A_387 = vector.shape_cast %xor3A_10 : vector<16xi32> to vector<16x1xi32>
        %gather3A_388 = vector.shape_cast %broadcast_in_dim3A_387 : vector<16x1xi32> to vector<16xi32>
        %gather3A_389 = tpu.dynamic_gather %add3A_374[%gather3A_388] in [0] : vector<16xf32>, vector<16xi32> -> vector<16xf32>
        %select_n3A_390 = arith.select %eq3A_29, %add3A_355, %gather3A_389 : vector<16xi1>, vector<16xf32>
        %select_n3A_391 = arith.select %eq3A_29, %gather3A_386, %add3A_374 : vector<16xi1>, vector<16xf32>
        %add3A_392 = arith.addf %select_n3A_390, %select_n3A_391 : vector<16xf32>
        %broadcast_in_dim3A_393 = vector.shape_cast %xor3A_13 : vector<16xi32> to vector<16x1xi32>
        %gather3A_394 = vector.shape_cast %broadcast_in_dim3A_393 : vector<16x1xi32> to vector<16xi32>
        %gather3A_395 = tpu.dynamic_gather %add3A_383[%gather3A_394] in [0] : vector<16xf32>, vector<16xi32> -> vector<16xf32>
        %broadcast_in_dim3A_396 = vector.shape_cast %xor3A_13 : vector<16xi32> to vector<16x1xi32>
        %gather3A_397 = vector.shape_cast %broadcast_in_dim3A_396 : vector<16x1xi32> to vector<16xi32>
        %gather3A_398 = tpu.dynamic_gather %add3A_392[%gather3A_397] in [0] : vector<16xf32>, vector<16xi32> -> vector<16xf32>
        %select_n3A_399 = arith.select %eq3A_35, %add3A_383, %gather3A_398 : vector<16xi1>, vector<16xf32>
        %select_n3A_400 = arith.select %eq3A_35, %gather3A_395, %add3A_392 : vector<16xi1>, vector<16xf32>
        %add3A_401 = arith.addf %select_n3A_399, %select_n3A_400 : vector<16xf32>
        %mul3A_402 = arith.constant 16 : i32
        %mul3A_403 = arith.muli %scan3A_299, %mul3A_402 : i32
        %swap3A = arith.constant 0 : i32
        %swap3A_404 = tpu.memref_slice %arg8[%scan3A_201, %swap3A] : memref<2x128xf32, #tpu.memory_space<vmem>> -> memref<1x128xf32, #tpu.memory_space<vmem>>
        %swap3A_405 = tpu.memref_squeeze %swap3A_404 : memref<1x128xf32, #tpu.memory_space<vmem>> -> memref<128xf32, #tpu.memory_space<vmem>>
        %swap3A_406 = arith.index_cast %mul3A_403 : i32 to index
        %swap3A_407 = tpu.vector_load %swap3A_405[%swap3A_406] {strides = array<i32>} : memref<128xf32, #tpu.memory_space<vmem>>, vector<16xf32>,
        tpu.vector_store %swap3A_405[%swap3A_406], %add3A_401 {strides = array<i32>} : memref<128xf32, #tpu.memory_space<vmem>>, vector<16xf32>,
        %scan3A_408 = arith.constant 0 : i32
        scf.yield %scan3A_408 : i32
      }
      %scan3A_208 = arith.constant 8 : i32
      %add3A_209 = arith.addi %mul3A_2, %add3A_150 : i32
      %mul3A_210 = arith.constant 128 : i32
      %mul3A_211 = arith.muli %add3A_209, %mul3A_210 : i32
      %dma_start3A_212 = arith.constant 0 : i32
      %dma_start3A_213 = arith.constant 0 : i32
      %dma_start3A_214 = tpu.memref_slice %arg8[%dma_start3A_212, %dma_start3A_213] : memref<2x128xf32, #tpu.memory_space<vmem>> -> memref<1x128xf32, #tpu.memory_space<vmem>>
      %dma_start3A_215 = tpu.memref_squeeze %dma_start3A_214 : memref<1x128xf32, #tpu.memory_space<vmem>> -> memref<128xf32, #tpu.memory_space<vmem>>
      %dma_start3A_216 = tpu.memref_slice %arg4[%mul3A_211] : memref<327680xf32, #tpu.memory_space<hbm>> -> memref<128xf32, #tpu.memory_space<hbm>>
      %dma_start3A_217 = tpu.memref_slice %arg4[%mul3A_211] : memref<327680xf32, #tpu.memory_space<hbm>> -> memref<128xf32, #tpu.memory_space<hbm>>
      %dma_start3A_218 = arith.constant 0 : i32
      %dma_start3A_219 = tpu.memref_slice %arg8[%dma_start3A_212, %dma_start3A_218] : memref<2x128xf32, #tpu.memory_space<vmem>> -> memref<1x128xf32, #tpu.memory_space<vmem>>
      %dma_start3A_220 = tpu.memref_squeeze %dma_start3A_219 : memref<1x128xf32, #tpu.memory_space<vmem>> -> memref<128xf32, #tpu.memory_space<vmem>>
      tpu.enqueue_dma source(%dma_start3A_220 : memref<128xf32, #tpu.memory_space<vmem>>) target(%dma_start3A_217 : memref<128xf32, #tpu.memory_space<hbm>>) target_semaphore(%arg15 : memref<!tpu.dma_semaphore, #tpu.memory_space<semaphore_mem>>)
      %mul3A_221 = arith.constant 2 : i32
      %mul3A_222 = arith.muli %mul3A_221, %scan3A_146 : i32
      %add3A_223 = arith.constant 1 : i32
      %add3A_224 = arith.addi %mul3A_222, %add3A_223 : i32
      %dma_wait3A_225 = arith.constant 1 : i32
      %dma_wait3A_226 = arith.constant 0 : i32
      %dma_wait3A_227 = arith.constant 1 : i32
      %dma_wait3A_228 = arith.constant 0 : i32
      %dma_wait3A_229 = arith.constant 0 : i32
      %dma_wait3A_230 = tpu.memref_slice %arg6[%dma_wait3A_227, %dma_wait3A_228, %dma_wait3A_229] : memref<2x128x64xi32, #tpu.memory_space<vmem>> -> memref<1x128x64xi32, #tpu.memory_space<vmem>>
      %dma_wait3A_231 = tpu.memref_squeeze %dma_wait3A_230 : memref<1x128x64xi32, #tpu.memory_space<vmem>> -> memref<128x64xi32, #tpu.memory_space<vmem>>
      %dma_wait3A_232 = arith.constant 0 : i32
      %dma_wait3A_233 = tpu.memref_slice %arg5[%dma_wait3A_225, %dma_wait3A_226, %dma_wait3A_232] : memref<2x2x128xi32, #tpu.memory_space<vmem>> -> memref<1x1x128xi32, #tpu.memory_space<vmem>>
      %dma_wait3A_234 = tpu.memref_squeeze %dma_wait3A_233 : memref<1x1x128xi32, #tpu.memory_space<vmem>> -> memref<128xi32, #tpu.memory_space<vmem>>
      %dma_wait3A_235 = arith.constant 0 : i32
      %dma_wait3A_236 = arith.constant 0 : i32
      %dma_wait3A_237 = tpu.memref_slice %arg10[%dma_wait3A_235, %dma_wait3A_236] : memref<10240x64xi32, #tpu.memory_space<vmem_shared>> -> memref<10240x64xi32, #tpu.memory_space<vmem_shared>>
      tpu.wait_indirect_dma semaphore(%arg14 : memref<!tpu.dma_semaphore, #tpu.memory_space<semaphore_mem>>) src(%dma_wait3A_237 : memref<10240x64xi32, #tpu.memory_space<vmem_shared>>) dst(%dma_wait3A_231 : memref<128x64xi32, #tpu.memory_space<vmem>>)
      %dma_wait3A_238 = arith.constant 1 : i32
      %dma_wait3A_239 = arith.constant 1 : i32
      %dma_wait3A_240 = arith.constant 1 : i32
      %dma_wait3A_241 = arith.constant 0 : i32
      %dma_wait3A_242 = arith.constant 0 : i32
      %dma_wait3A_243 = tpu.memref_slice %arg7[%dma_wait3A_240, %dma_wait3A_241, %dma_wait3A_242] : memref<2x128x64xi32, #tpu.memory_space<vmem>> -> memref<1x128x64xi32, #tpu.memory_space<vmem>>
      %dma_wait3A_244 = tpu.memref_squeeze %dma_wait3A_243 : memref<1x128x64xi32, #tpu.memory_space<vmem>> -> memref<128x64xi32, #tpu.memory_space<vmem>>
      %dma_wait3A_245 = arith.constant 0 : i32
      %dma_wait3A_246 = tpu.memref_slice %arg5[%dma_wait3A_238, %dma_wait3A_239, %dma_wait3A_245] : memref<2x2x128xi32, #tpu.memory_space<vmem>> -> memref<1x1x128xi32, #tpu.memory_space<vmem>>
      %dma_wait3A_247 = tpu.memref_squeeze %dma_wait3A_246 : memref<1x1x128xi32, #tpu.memory_space<vmem>> -> memref<128xi32, #tpu.memory_space<vmem>>
      %dma_wait3A_248 = arith.constant 0 : i32
      %dma_wait3A_249 = arith.constant 0 : i32
      %dma_wait3A_250 = tpu.memref_slice %arg10[%dma_wait3A_248, %dma_wait3A_249] : memref<10240x64xi32, #tpu.memory_space<vmem_shared>> -> memref<10240x64xi32, #tpu.memory_space<vmem_shared>>
      tpu.wait_indirect_dma semaphore(%arg14 : memref<!tpu.dma_semaphore, #tpu.memory_space<semaphore_mem>>) src(%dma_wait3A_250 : memref<10240x64xi32, #tpu.memory_space<vmem_shared>>) dst(%dma_wait3A_244 : memref<128x64xi32, #tpu.memory_space<vmem>>)
      %add3A_251 = arith.constant 2 : i32
      %add3A_252 = arith.addi %add3A_224, %add3A_251 : i32
      %lt3A_253 = arith.constant 80 : i32
      %lt3A_254 = arith.cmpi slt, %add3A_252, %lt3A_253 : i32
      %convert_element_type3A_255 = arith.extui %lt3A_254 : i1 to i32
      %cond3A_256 = arith.constant 0 : i32
      %cond3A_257 = arith.cmpi ne, %convert_element_type3A_255, %cond3A_256 : i32
      scf.if %cond3A_257 {
        %add3A_299 = arith.constant 2 : i32
        %add3A_300 = arith.addi %add3A_224, %add3A_299 : i32
        %add3A_301 = arith.addi %mul3A_2, %add3A_300 : i32
        %dma_start3A_302 = arith.constant 1 : i32
        %dma_start3A_303 = arith.constant 0 : i32
        %dma_start3A_304 = arith.constant 0 : i32
        %dma_start3A_305 = tpu.memref_slice %arg5[%dma_start3A_302, %dma_start3A_303, %dma_start3A_304] : memref<2x2x128xi32, #tpu.memory_space<vmem>> -> memref<1x2x128xi32, #tpu.memory_space<vmem>>
        %dma_start3A_306 = tpu.memref_squeeze %dma_start3A_305 : memref<1x2x128xi32, #tpu.memory_space<vmem>> -> memref<2x128xi32, #tpu.memory_space<vmem>>
        %dma_start3A_307 = arith.constant 0 : i32
        %dma_start3A_308 = arith.constant 0 : i32
        %dma_start3A_309 = tpu.memref_slice %arg3[%add3A_301, %dma_start3A_307, %dma_start3A_308] : memref<2560x2x128xi32, #tpu.memory_space<hbm>> -> memref<1x2x128xi32, #tpu.memory_space<hbm>>
        %dma_start3A_310 = tpu.memref_squeeze %dma_start3A_309 : memref<1x2x128xi32, #tpu.memory_space<hbm>> -> memref<2x128xi32, #tpu.memory_space<hbm>>
        %dma_start3A_311 = arith.constant 0 : i32
        %dma_start3A_312 = arith.constant 0 : i32
        %dma_start3A_313 = tpu.memref_slice %arg5[%dma_start3A_302, %dma_start3A_311, %dma_start3A_312] : memref<2x2x128xi32, #tpu.memory_space<vmem>> -> memref<1x2x128xi32, #tpu.memory_space<vmem>>
        %dma_start3A_314 = tpu.memref_squeeze %dma_start3A_313 : memref<1x2x128xi32, #tpu.memory_space<vmem>> -> memref<2x128xi32, #tpu.memory_space<vmem>>
        %dma_start3A_315 = arith.constant 0 : i32
        %dma_start3A_316 = arith.constant 0 : i32
        %dma_start3A_317 = tpu.memref_slice %arg3[%add3A_301, %dma_start3A_315, %dma_start3A_316] : memref<2560x2x128xi32, #tpu.memory_space<hbm>> -> memref<1x2x128xi32, #tpu.memory_space<hbm>>
        %dma_start3A_318 = tpu.memref_squeeze %dma_start3A_317 : memref<1x2x128xi32, #tpu.memory_space<hbm>> -> memref<2x128xi32, #tpu.memory_space<hbm>>
        tpu.enqueue_dma source(%dma_start3A_318 : memref<2x128xi32, #tpu.memory_space<hbm>>) target(%dma_start3A_314 : memref<2x128xi32, #tpu.memory_space<vmem>>) target_semaphore(%arg12 : memref<!tpu.dma_semaphore, #tpu.memory_space<semaphore_mem>>)
      } else {
      }
      %add3A_258 = arith.constant 1 : i32
      %add3A_259 = arith.addi %add3A_224, %add3A_258 : i32
      %lt3A_260 = arith.constant 80 : i32
      %lt3A_261 = arith.cmpi slt, %add3A_259, %lt3A_260 : i32
      %convert_element_type3A_262 = arith.extui %lt3A_261 : i1 to i32
      %cond3A_263 = arith.constant 0 : i32
      %cond3A_264 = arith.cmpi ne, %convert_element_type3A_262, %cond3A_263 : i32
      scf.if %cond3A_264 {
        %dma_wait3A_299 = arith.constant 0 : i32
        %dma_wait3A_300 = arith.constant 0 : i32
        %dma_wait3A_301 = arith.constant 0 : i32
        %dma_wait3A_302 = tpu.memref_slice %arg5[%dma_wait3A_299, %dma_wait3A_300, %dma_wait3A_301] : memref<2x2x128xi32, #tpu.memory_space<vmem>> -> memref<1x2x128xi32, #tpu.memory_space<vmem>>
        %dma_wait3A_303 = tpu.memref_squeeze %dma_wait3A_302 : memref<1x2x128xi32, #tpu.memory_space<vmem>> -> memref<2x128xi32, #tpu.memory_space<vmem>>
        %dma_wait3A_304 = arith.constant 0 : i32
        %dma_wait3A_305 = arith.constant 0 : i32
        %dma_wait3A_306 = tpu.memref_slice %arg3[%mul3A_2, %dma_wait3A_304, %dma_wait3A_305] : memref<2560x2x128xi32, #tpu.memory_space<hbm>> -> memref<1x2x128xi32, #tpu.memory_space<hbm>>
        %dma_wait3A_307 = tpu.memref_squeeze %dma_wait3A_306 : memref<1x2x128xi32, #tpu.memory_space<hbm>> -> memref<2x128xi32, #tpu.memory_space<hbm>>
        %dma_wait3A_308 = arith.constant 0 : i32
        %dma_wait3A_309 = arith.constant 0 : i32
        %dma_wait3A_310 = tpu.memref_slice %arg5[%dma_wait3A_299, %dma_wait3A_308, %dma_wait3A_309] : memref<2x2x128xi32, #tpu.memory_space<vmem>> -> memref<1x2x128xi32, #tpu.memory_space<vmem>>
        %dma_wait3A_311 = tpu.memref_squeeze %dma_wait3A_310 : memref<1x2x128xi32, #tpu.memory_space<vmem>> -> memref<2x128xi32, #tpu.memory_space<vmem>>
        %dma_wait3A_312 = arith.constant 0 : i32
        %dma_wait3A_313 = arith.constant 0 : i32
        %dma_wait3A_314 = tpu.memref_slice %arg3[%mul3A_2, %dma_wait3A_312, %dma_wait3A_313] : memref<2560x2x128xi32, #tpu.memory_space<hbm>> -> memref<1x2x128xi32, #tpu.memory_space<hbm>>
        %dma_wait3A_315 = tpu.memref_squeeze %dma_wait3A_314 : memref<1x2x128xi32, #tpu.memory_space<hbm>> -> memref<2x128xi32, #tpu.memory_space<hbm>>
        tpu.wait_dma2 semaphore(%arg11 : memref<!tpu.dma_semaphore, #tpu.memory_space<semaphore_mem>>) src(%dma_wait3A_315 : memref<2x128xi32, #tpu.memory_space<hbm>>) dst(%dma_wait3A_311 : memref<2x128xi32, #tpu.memory_space<vmem>>)
        %dma_start3A_316 = arith.constant 0 : i32
        %dma_start3A_317 = arith.constant 0 : i32
        %dma_start3A_318 = arith.constant 0 : i32
        %dma_start3A_319 = arith.constant 0 : i32
        %dma_start3A_320 = arith.constant 0 : i32
        %dma_start3A_321 = tpu.memref_slice %arg6[%dma_start3A_318, %dma_start3A_319, %dma_start3A_320] : memref<2x128x64xi32, #tpu.memory_space<vmem>> -> memref<1x128x64xi32, #tpu.memory_space<vmem>>
        %dma_start3A_322 = tpu.memref_squeeze %dma_start3A_321 : memref<1x128x64xi32, #tpu.memory_space<vmem>> -> memref<128x64xi32, #tpu.memory_space<vmem>>
        %dma_start3A_323 = arith.constant 0 : i32
        %dma_start3A_324 = tpu.memref_slice %arg5[%dma_start3A_316, %dma_start3A_317, %dma_start3A_323] : memref<2x2x128xi32, #tpu.memory_space<vmem>> -> memref<1x1x128xi32, #tpu.memory_space<vmem>>
        %dma_start3A_325 = tpu.memref_squeeze %dma_start3A_324 : memref<1x1x128xi32, #tpu.memory_space<vmem>> -> memref<128xi32, #tpu.memory_space<vmem>>
        %dma_start3A_326 = arith.constant 0 : i32
        %dma_start3A_327 = arith.constant 0 : i32
        %dma_start3A_328 = tpu.memref_slice %arg10[%dma_start3A_326, %dma_start3A_327] : memref<10240x64xi32, #tpu.memory_space<vmem_shared>> -> memref<10240x64xi32, #tpu.memory_space<vmem_shared>>
        tpu.enqueue_indirect_dma source(%dma_start3A_328 : memref<10240x64xi32, #tpu.memory_space<vmem_shared>>) target(%dma_start3A_322 : memref<128x64xi32, #tpu.memory_space<vmem>>) offsets(%dma_start3A_325 : memref<128xi32, #tpu.memory_space<vmem>>) semaphore(%arg13 : memref<!tpu.dma_semaphore, #tpu.memory_space<semaphore_mem>>)
        %dma_start3A_329 = arith.constant 0 : i32
        %dma_start3A_330 = arith.constant 1 : i32
        %dma_start3A_331 = arith.constant 0 : i32
        %dma_start3A_332 = arith.constant 0 : i32
        %dma_start3A_333 = arith.constant 0 : i32
        %dma_start3A_334 = tpu.memref_slice %arg7[%dma_start3A_331, %dma_start3A_332, %dma_start3A_333] : memref<2x128x64xi32, #tpu.memory_space<vmem>> -> memref<1x128x64xi32, #tpu.memory_space<vmem>>
        %dma_start3A_335 = tpu.memref_squeeze %dma_start3A_334 : memref<1x128x64xi32, #tpu.memory_space<vmem>> -> memref<128x64xi32, #tpu.memory_space<vmem>>
        %dma_start3A_336 = arith.constant 0 : i32
        %dma_start3A_337 = tpu.memref_slice %arg5[%dma_start3A_329, %dma_start3A_330, %dma_start3A_336] : memref<2x2x128xi32, #tpu.memory_space<vmem>> -> memref<1x1x128xi32, #tpu.memory_space<vmem>>
        %dma_start3A_338 = tpu.memref_squeeze %dma_start3A_337 : memref<1x1x128xi32, #tpu.memory_space<vmem>> -> memref<128xi32, #tpu.memory_space<vmem>>
        %dma_start3A_339 = arith.constant 0 : i32
        %dma_start3A_340 = arith.constant 0 : i32
        %dma_start3A_341 = tpu.memref_slice %arg10[%dma_start3A_339, %dma_start3A_340] : memref<10240x64xi32, #tpu.memory_space<vmem_shared>> -> memref<10240x64xi32, #tpu.memory_space<vmem_shared>>
        tpu.enqueue_indirect_dma source(%dma_start3A_341 : memref<10240x64xi32, #tpu.memory_space<vmem_shared>>) target(%dma_start3A_335 : memref<128x64xi32, #tpu.memory_space<vmem>>) offsets(%dma_start3A_338 : memref<128xi32, #tpu.memory_space<vmem>>) semaphore(%arg13 : memref<!tpu.dma_semaphore, #tpu.memory_space<semaphore_mem>>)
      } else {
      }
      %ge3A_265 = arith.constant 2 : i32
      %ge3A_266 = arith.cmpi sge, %add3A_224, %ge3A_265 : i32
      %convert_element_type3A_267 = arith.extui %ge3A_266 : i1 to i32
      %cond3A_268 = arith.constant 0 : i32
      %cond3A_269 = arith.cmpi ne, %convert_element_type3A_267, %cond3A_268 : i32
      scf.if %cond3A_269 {
        %dma_wait3A_299 = arith.constant 1 : i32
        %dma_wait3A_300 = arith.constant 0 : i32
        %dma_wait3A_301 = tpu.memref_slice %arg8[%dma_wait3A_299, %dma_wait3A_300] : memref<2x128xf32, #tpu.memory_space<vmem>> -> memref<1x128xf32, #tpu.memory_space<vmem>>
        %dma_wait3A_302 = tpu.memref_squeeze %dma_wait3A_301 : memref<1x128xf32, #tpu.memory_space<vmem>> -> memref<128xf32, #tpu.memory_space<vmem>>
        %dma_wait3A_303 = arith.constant 0 : i32
        %dma_wait3A_304 = tpu.memref_slice %arg4[%dma_wait3A_303] : memref<327680xf32, #tpu.memory_space<hbm>> -> memref<128xf32, #tpu.memory_space<hbm>>
        %dma_wait3A_305 = arith.constant 0 : i32
        %dma_wait3A_306 = tpu.memref_slice %arg4[%dma_wait3A_305] : memref<327680xf32, #tpu.memory_space<hbm>> -> memref<128xf32, #tpu.memory_space<hbm>>
        %dma_wait3A_307 = arith.constant 0 : i32
        %dma_wait3A_308 = tpu.memref_slice %arg8[%dma_wait3A_299, %dma_wait3A_307] : memref<2x128xf32, #tpu.memory_space<vmem>> -> memref<1x128xf32, #tpu.memory_space<vmem>>
        %dma_wait3A_309 = tpu.memref_squeeze %dma_wait3A_308 : memref<1x128xf32, #tpu.memory_space<vmem>> -> memref<128xf32, #tpu.memory_space<vmem>>
        tpu.wait_dma2 semaphore(%arg16 : memref<!tpu.dma_semaphore, #tpu.memory_space<semaphore_mem>>) src(%dma_wait3A_309 : memref<128xf32, #tpu.memory_space<vmem>>) dst(%dma_wait3A_306 : memref<128xf32, #tpu.memory_space<hbm>>)
      } else {
      }
      %scan3A_270 = arith.constant 1 : i32
      %scan3A_271 = arith.constant 1 : i32
      %scan3A_272 = arith.constant 0 : i32
      %scan3A_273 = arith.constant 0 : i32
      %scan3A_274 = arith.constant 64 : i32
      %scan3A_275 = arith.addi %scan3A_273, %scan3A_274 : i32
      %scan3A_276 = arith.constant 1 : i32
      %scan3A_277 = scf.for %scan3A_299 = %scan3A_273 to %scan3A_275 step %scan3A_276 iter_args(%scan3A_300 = %scan3A_272) -> (i32)  : i32 {
        %mul3A_301 = arith.constant 2 : i32
        %mul3A_302 = arith.muli %mul3A_301, %scan3A_299 : i32
        %get3A = arith.constant 0 : i32
        %get3A_303 = arith.constant 0 : i32
        %get3A_304 = tpu.memref_slice %arg6[%scan3A_270, %get3A, %get3A_303] : memref<2x128x64xi32, #tpu.memory_space<vmem>> -> memref<1x128x64xi32, #tpu.memory_space<vmem>>
        %get3A_305 = tpu.memref_squeeze %get3A_304 : memref<1x128x64xi32, #tpu.memory_space<vmem>> -> memref<128x64xi32, #tpu.memory_space<vmem>>
        %get3A_306 = arith.index_cast %mul3A_302 : i32 to index
        %get3A_307 = arith.constant 0 : index
        %get3A_308 = tpu.vector_load %get3A_305[%get3A_306, %get3A_307] {strides = array<i32>} : memref<128x64xi32, #tpu.memory_space<vmem>>, vector<16xi32>,
        %get3A_309 = arith.constant 0 : i32
        %get3A_310 = arith.constant 0 : i32
        %get3A_311 = tpu.memref_slice %arg7[%scan3A_271, %get3A_309, %get3A_310] : memref<2x128x64xi32, #tpu.memory_space<vmem>> -> memref<1x128x64xi32, #tpu.memory_space<vmem>>
        %get3A_312 = tpu.memref_squeeze %get3A_311 : memref<1x128x64xi32, #tpu.memory_space<vmem>> -> memref<128x64xi32, #tpu.memory_space<vmem>>
        %get3A_313 = arith.index_cast %mul3A_302 : i32 to index
        %get3A_314 = arith.constant 0 : index
        %get3A_315 = tpu.vector_load %get3A_312[%get3A_313, %get3A_314] {strides = array<i32>} : memref<128x64xi32, #tpu.memory_space<vmem>>, vector<16xi32>,
        %and3A_316 = arith.constant -65536 : i32
        %and3A_317 = vector.broadcast %and3A_316 : i32 to vector<16xi32>
        %and3A_318 = arith.andi %get3A_308, %and3A_317 : vector<16xi32>
        %bitcast3A = vector.bitcast %and3A_318 : vector<16xi32> to vector<16xf32>
        %and3A_319 = arith.constant -65536 : i32
        %and3A_320 = vector.broadcast %and3A_319 : i32 to vector<16xi32>
        %and3A_321 = arith.andi %get3A_315, %and3A_320 : vector<16xi32>
        %bitcast3A_322 = vector.bitcast %and3A_321 : vector<16xi32> to vector<16xf32>
        %shift_left3A = arith.constant 16 : i32
        %shift_left3A_323 = vector.broadcast %shift_left3A : i32 to vector<16xi32>
        %shift_left3A_324 = arith.shli %get3A_308, %shift_left3A_323 : vector<16xi32>
        %bitcast3A_325 = vector.bitcast %shift_left3A_324 : vector<16xi32> to vector<16xf32>
        %shift_left3A_326 = arith.constant 16 : i32
        %shift_left3A_327 = vector.broadcast %shift_left3A_326 : i32 to vector<16xi32>
        %shift_left3A_328 = arith.shli %get3A_315, %shift_left3A_327 : vector<16xi32>
        %bitcast3A_329 = vector.bitcast %shift_left3A_328 : vector<16xi32> to vector<16xf32>
        %mul3A_330 = arith.mulf %bitcast3A, %bitcast3A_322 : vector<16xf32>
        %mul3A_331 = arith.mulf %bitcast3A_325, %bitcast3A_329 : vector<16xf32>
        %get3A_332 = arith.constant 0 : i32
        %get3A_333 = arith.constant 0 : i32
        %get3A_334 = tpu.memref_slice %arg6[%scan3A_270, %get3A_332, %get3A_333] : memref<2x128x64xi32, #tpu.memory_space<vmem>> -> memref<1x128x64xi32, #tpu.memory_space<vmem>>
        %get3A_335 = tpu.memref_squeeze %get3A_334 : memref<1x128x64xi32, #tpu.memory_space<vmem>> -> memref<128x64xi32, #tpu.memory_space<vmem>>
        %get3A_336 = arith.index_cast %mul3A_302 : i32 to index
        %get3A_337 = arith.constant 16 : index
        %get3A_338 = tpu.vector_load %get3A_335[%get3A_336, %get3A_337] {strides = array<i32>} : memref<128x64xi32, #tpu.memory_space<vmem>>, vector<16xi32>,
        %get3A_339 = arith.constant 0 : i32
        %get3A_340 = arith.constant 0 : i32
        %get3A_341 = tpu.memref_slice %arg7[%scan3A_271, %get3A_339, %get3A_340] : memref<2x128x64xi32, #tpu.memory_space<vmem>> -> memref<1x128x64xi32, #tpu.memory_space<vmem>>
        %get3A_342 = tpu.memref_squeeze %get3A_341 : memref<1x128x64xi32, #tpu.memory_space<vmem>> -> memref<128x64xi32, #tpu.memory_space<vmem>>
        %get3A_343 = arith.index_cast %mul3A_302 : i32 to index
        %get3A_344 = arith.constant 16 : index
        %get3A_345 = tpu.vector_load %get3A_342[%get3A_343, %get3A_344] {strides = array<i32>} : memref<128x64xi32, #tpu.memory_space<vmem>>, vector<16xi32>,
        %and3A_346 = arith.constant -65536 : i32
        %and3A_347 = vector.broadcast %and3A_346 : i32 to vector<16xi32>
        %and3A_348 = arith.andi %get3A_338, %and3A_347 : vector<16xi32>
        %bitcast3A_349 = vector.bitcast %and3A_348 : vector<16xi32> to vector<16xf32>
        %and3A_350 = arith.constant -65536 : i32
        %and3A_351 = vector.broadcast %and3A_350 : i32 to vector<16xi32>
        %and3A_352 = arith.andi %get3A_345, %and3A_351 : vector<16xi32>
        %bitcast3A_353 = vector.bitcast %and3A_352 : vector<16xi32> to vector<16xf32>
        %shift_left3A_354 = arith.constant 16 : i32
        %shift_left3A_355 = vector.broadcast %shift_left3A_354 : i32 to vector<16xi32>
        %shift_left3A_356 = arith.shli %get3A_338, %shift_left3A_355 : vector<16xi32>
        %bitcast3A_357 = vector.bitcast %shift_left3A_356 : vector<16xi32> to vector<16xf32>
        %shift_left3A_358 = arith.constant 16 : i32
        %shift_left3A_359 = vector.broadcast %shift_left3A_358 : i32 to vector<16xi32>
        %shift_left3A_360 = arith.shli %get3A_345, %shift_left3A_359 : vector<16xi32>
        %bitcast3A_361 = vector.bitcast %shift_left3A_360 : vector<16xi32> to vector<16xf32>
        %mul3A_362 = arith.mulf %bitcast3A_349, %bitcast3A_353 : vector<16xf32>
        %add3A_363 = arith.addf %mul3A_330, %mul3A_362 : vector<16xf32>
        %mul3A_364 = arith.mulf %bitcast3A_357, %bitcast3A_361 : vector<16xf32>
        %add3A_365 = arith.addf %mul3A_331, %mul3A_364 : vector<16xf32>
        %get3A_366 = arith.constant 0 : i32
        %get3A_367 = arith.constant 0 : i32
        %get3A_368 = tpu.memref_slice %arg6[%scan3A_270, %get3A_366, %get3A_367] : memref<2x128x64xi32, #tpu.memory_space<vmem>> -> memref<1x128x64xi32, #tpu.memory_space<vmem>>
        %get3A_369 = tpu.memref_squeeze %get3A_368 : memref<1x128x64xi32, #tpu.memory_space<vmem>> -> memref<128x64xi32, #tpu.memory_space<vmem>>
        %get3A_370 = arith.index_cast %mul3A_302 : i32 to index
        %get3A_371 = arith.constant 32 : index
        %get3A_372 = tpu.vector_load %get3A_369[%get3A_370, %get3A_371] {strides = array<i32>} : memref<128x64xi32, #tpu.memory_space<vmem>>, vector<16xi32>,
        %get3A_373 = arith.constant 0 : i32
        %get3A_374 = arith.constant 0 : i32
        %get3A_375 = tpu.memref_slice %arg7[%scan3A_271, %get3A_373, %get3A_374] : memref<2x128x64xi32, #tpu.memory_space<vmem>> -> memref<1x128x64xi32, #tpu.memory_space<vmem>>
        %get3A_376 = tpu.memref_squeeze %get3A_375 : memref<1x128x64xi32, #tpu.memory_space<vmem>> -> memref<128x64xi32, #tpu.memory_space<vmem>>
        %get3A_377 = arith.index_cast %mul3A_302 : i32 to index
        %get3A_378 = arith.constant 32 : index
        %get3A_379 = tpu.vector_load %get3A_376[%get3A_377, %get3A_378] {strides = array<i32>} : memref<128x64xi32, #tpu.memory_space<vmem>>, vector<16xi32>,
        %and3A_380 = arith.constant -65536 : i32
        %and3A_381 = vector.broadcast %and3A_380 : i32 to vector<16xi32>
        %and3A_382 = arith.andi %get3A_372, %and3A_381 : vector<16xi32>
        %bitcast3A_383 = vector.bitcast %and3A_382 : vector<16xi32> to vector<16xf32>
        %and3A_384 = arith.constant -65536 : i32
        %and3A_385 = vector.broadcast %and3A_384 : i32 to vector<16xi32>
        %and3A_386 = arith.andi %get3A_379, %and3A_385 : vector<16xi32>
        %bitcast3A_387 = vector.bitcast %and3A_386 : vector<16xi32> to vector<16xf32>
        %shift_left3A_388 = arith.constant 16 : i32
        %shift_left3A_389 = vector.broadcast %shift_left3A_388 : i32 to vector<16xi32>
        %shift_left3A_390 = arith.shli %get3A_372, %shift_left3A_389 : vector<16xi32>
        %bitcast3A_391 = vector.bitcast %shift_left3A_390 : vector<16xi32> to vector<16xf32>
        %shift_left3A_392 = arith.constant 16 : i32
        %shift_left3A_393 = vector.broadcast %shift_left3A_392 : i32 to vector<16xi32>
        %shift_left3A_394 = arith.shli %get3A_379, %shift_left3A_393 : vector<16xi32>
        %bitcast3A_395 = vector.bitcast %shift_left3A_394 : vector<16xi32> to vector<16xf32>
        %mul3A_396 = arith.mulf %bitcast3A_383, %bitcast3A_387 : vector<16xf32>
        %add3A_397 = arith.addf %add3A_363, %mul3A_396 : vector<16xf32>
        %mul3A_398 = arith.mulf %bitcast3A_391, %bitcast3A_395 : vector<16xf32>
        %add3A_399 = arith.addf %add3A_365, %mul3A_398 : vector<16xf32>
        %get3A_400 = arith.constant 0 : i32
        %get3A_401 = arith.constant 0 : i32
        %get3A_402 = tpu.memref_slice %arg6[%scan3A_270, %get3A_400, %get3A_401] : memref<2x128x64xi32, #tpu.memory_space<vmem>> -> memref<1x128x64xi32, #tpu.memory_space<vmem>>
        %get3A_403 = tpu.memref_squeeze %get3A_402 : memref<1x128x64xi32, #tpu.memory_space<vmem>> -> memref<128x64xi32, #tpu.memory_space<vmem>>
        %get3A_404 = arith.index_cast %mul3A_302 : i32 to index
        %get3A_405 = arith.constant 48 : index
        %get3A_406 = tpu.vector_load %get3A_403[%get3A_404, %get3A_405] {strides = array<i32>} : memref<128x64xi32, #tpu.memory_space<vmem>>, vector<16xi32>,
        %get3A_407 = arith.constant 0 : i32
        %get3A_408 = arith.constant 0 : i32
        %get3A_409 = tpu.memref_slice %arg7[%scan3A_271, %get3A_407, %get3A_408] : memref<2x128x64xi32, #tpu.memory_space<vmem>> -> memref<1x128x64xi32, #tpu.memory_space<vmem>>
        %get3A_410 = tpu.memref_squeeze %get3A_409 : memref<1x128x64xi32, #tpu.memory_space<vmem>> -> memref<128x64xi32, #tpu.memory_space<vmem>>
        %get3A_411 = arith.index_cast %mul3A_302 : i32 to index
        %get3A_412 = arith.constant 48 : index
        %get3A_413 = tpu.vector_load %get3A_410[%get3A_411, %get3A_412] {strides = array<i32>} : memref<128x64xi32, #tpu.memory_space<vmem>>, vector<16xi32>,
        %and3A_414 = arith.constant -65536 : i32
        %and3A_415 = vector.broadcast %and3A_414 : i32 to vector<16xi32>
        %and3A_416 = arith.andi %get3A_406, %and3A_415 : vector<16xi32>
        %bitcast3A_417 = vector.bitcast %and3A_416 : vector<16xi32> to vector<16xf32>
        %and3A_418 = arith.constant -65536 : i32
        %and3A_419 = vector.broadcast %and3A_418 : i32 to vector<16xi32>
        %and3A_420 = arith.andi %get3A_413, %and3A_419 : vector<16xi32>
        %bitcast3A_421 = vector.bitcast %and3A_420 : vector<16xi32> to vector<16xf32>
        %shift_left3A_422 = arith.constant 16 : i32
        %shift_left3A_423 = vector.broadcast %shift_left3A_422 : i32 to vector<16xi32>
        %shift_left3A_424 = arith.shli %get3A_406, %shift_left3A_423 : vector<16xi32>
        %bitcast3A_425 = vector.bitcast %shift_left3A_424 : vector<16xi32> to vector<16xf32>
        %shift_left3A_426 = arith.constant 16 : i32
        %shift_left3A_427 = vector.broadcast %shift_left3A_426 : i32 to vector<16xi32>
        %shift_left3A_428 = arith.shli %get3A_413, %shift_left3A_427 : vector<16xi32>
        %bitcast3A_429 = vector.bitcast %shift_left3A_428 : vector<16xi32> to vector<16xf32>
        %mul3A_430 = arith.mulf %bitcast3A_417, %bitcast3A_421 : vector<16xf32>
        %add3A_431 = arith.addf %add3A_397, %mul3A_430 : vector<16xf32>
        %mul3A_432 = arith.mulf %bitcast3A_425, %bitcast3A_429 : vector<16xf32>
        %add3A_433 = arith.addf %add3A_399, %mul3A_432 : vector<16xf32>
        %add3A_434 = arith.addf %add3A_431, %add3A_433 : vector<16xf32>
        %add3A_435 = arith.constant 1 : i32
        %add3A_436 = arith.addi %mul3A_302, %add3A_435 : i32
        %get3A_437 = arith.constant 0 : i32
        %get3A_438 = arith.constant 0 : i32
        %get3A_439 = tpu.memref_slice %arg6[%scan3A_270, %get3A_437, %get3A_438] : memref<2x128x64xi32, #tpu.memory_space<vmem>> -> memref<1x128x64xi32, #tpu.memory_space<vmem>>
        %get3A_440 = tpu.memref_squeeze %get3A_439 : memref<1x128x64xi32, #tpu.memory_space<vmem>> -> memref<128x64xi32, #tpu.memory_space<vmem>>
        %get3A_441 = arith.index_cast %add3A_436 : i32 to index
        %get3A_442 = arith.constant 0 : index
        %get3A_443 = tpu.vector_load %get3A_440[%get3A_441, %get3A_442] {strides = array<i32>} : memref<128x64xi32, #tpu.memory_space<vmem>>, vector<16xi32>,
        %get3A_444 = arith.constant 0 : i32
        %get3A_445 = arith.constant 0 : i32
        %get3A_446 = tpu.memref_slice %arg7[%scan3A_271, %get3A_444, %get3A_445] : memref<2x128x64xi32, #tpu.memory_space<vmem>> -> memref<1x128x64xi32, #tpu.memory_space<vmem>>
        %get3A_447 = tpu.memref_squeeze %get3A_446 : memref<1x128x64xi32, #tpu.memory_space<vmem>> -> memref<128x64xi32, #tpu.memory_space<vmem>>
        %get3A_448 = arith.index_cast %add3A_436 : i32 to index
        %get3A_449 = arith.constant 0 : index
        %get3A_450 = tpu.vector_load %get3A_447[%get3A_448, %get3A_449] {strides = array<i32>} : memref<128x64xi32, #tpu.memory_space<vmem>>, vector<16xi32>,
        %and3A_451 = arith.constant -65536 : i32
        %and3A_452 = vector.broadcast %and3A_451 : i32 to vector<16xi32>
        %and3A_453 = arith.andi %get3A_443, %and3A_452 : vector<16xi32>
        %bitcast3A_454 = vector.bitcast %and3A_453 : vector<16xi32> to vector<16xf32>
        %and3A_455 = arith.constant -65536 : i32
        %and3A_456 = vector.broadcast %and3A_455 : i32 to vector<16xi32>
        %and3A_457 = arith.andi %get3A_450, %and3A_456 : vector<16xi32>
        %bitcast3A_458 = vector.bitcast %and3A_457 : vector<16xi32> to vector<16xf32>
        %shift_left3A_459 = arith.constant 16 : i32
        %shift_left3A_460 = vector.broadcast %shift_left3A_459 : i32 to vector<16xi32>
        %shift_left3A_461 = arith.shli %get3A_443, %shift_left3A_460 : vector<16xi32>
        %bitcast3A_462 = vector.bitcast %shift_left3A_461 : vector<16xi32> to vector<16xf32>
        %shift_left3A_463 = arith.constant 16 : i32
        %shift_left3A_464 = vector.broadcast %shift_left3A_463 : i32 to vector<16xi32>
        %shift_left3A_465 = arith.shli %get3A_450, %shift_left3A_464 : vector<16xi32>
        %bitcast3A_466 = vector.bitcast %shift_left3A_465 : vector<16xi32> to vector<16xf32>
        %mul3A_467 = arith.mulf %bitcast3A_454, %bitcast3A_458 : vector<16xf32>
        %mul3A_468 = arith.mulf %bitcast3A_462, %bitcast3A_466 : vector<16xf32>
        %get3A_469 = arith.constant 0 : i32
        %get3A_470 = arith.constant 0 : i32
        %get3A_471 = tpu.memref_slice %arg6[%scan3A_270, %get3A_469, %get3A_470] : memref<2x128x64xi32, #tpu.memory_space<vmem>> -> memref<1x128x64xi32, #tpu.memory_space<vmem>>
        %get3A_472 = tpu.memref_squeeze %get3A_471 : memref<1x128x64xi32, #tpu.memory_space<vmem>> -> memref<128x64xi32, #tpu.memory_space<vmem>>
        %get3A_473 = arith.index_cast %add3A_436 : i32 to index
        %get3A_474 = arith.constant 16 : index
        %get3A_475 = tpu.vector_load %get3A_472[%get3A_473, %get3A_474] {strides = array<i32>} : memref<128x64xi32, #tpu.memory_space<vmem>>, vector<16xi32>,
        %get3A_476 = arith.constant 0 : i32
        %get3A_477 = arith.constant 0 : i32
        %get3A_478 = tpu.memref_slice %arg7[%scan3A_271, %get3A_476, %get3A_477] : memref<2x128x64xi32, #tpu.memory_space<vmem>> -> memref<1x128x64xi32, #tpu.memory_space<vmem>>
        %get3A_479 = tpu.memref_squeeze %get3A_478 : memref<1x128x64xi32, #tpu.memory_space<vmem>> -> memref<128x64xi32, #tpu.memory_space<vmem>>
        %get3A_480 = arith.index_cast %add3A_436 : i32 to index
        %get3A_481 = arith.constant 16 : index
        %get3A_482 = tpu.vector_load %get3A_479[%get3A_480, %get3A_481] {strides = array<i32>} : memref<128x64xi32, #tpu.memory_space<vmem>>, vector<16xi32>,
        %and3A_483 = arith.constant -65536 : i32
        %and3A_484 = vector.broadcast %and3A_483 : i32 to vector<16xi32>
        %and3A_485 = arith.andi %get3A_475, %and3A_484 : vector<16xi32>
        %bitcast3A_486 = vector.bitcast %and3A_485 : vector<16xi32> to vector<16xf32>
        %and3A_487 = arith.constant -65536 : i32
        %and3A_488 = vector.broadcast %and3A_487 : i32 to vector<16xi32>
        %and3A_489 = arith.andi %get3A_482, %and3A_488 : vector<16xi32>
        %bitcast3A_490 = vector.bitcast %and3A_489 : vector<16xi32> to vector<16xf32>
        %shift_left3A_491 = arith.constant 16 : i32
        %shift_left3A_492 = vector.broadcast %shift_left3A_491 : i32 to vector<16xi32>
        %shift_left3A_493 = arith.shli %get3A_475, %shift_left3A_492 : vector<16xi32>
        %bitcast3A_494 = vector.bitcast %shift_left3A_493 : vector<16xi32> to vector<16xf32>
        %shift_left3A_495 = arith.constant 16 : i32
        %shift_left3A_496 = vector.broadcast %shift_left3A_495 : i32 to vector<16xi32>
        %shift_left3A_497 = arith.shli %get3A_482, %shift_left3A_496 : vector<16xi32>
        %bitcast3A_498 = vector.bitcast %shift_left3A_497 : vector<16xi32> to vector<16xf32>
        %mul3A_499 = arith.mulf %bitcast3A_486, %bitcast3A_490 : vector<16xf32>
        %add3A_500 = arith.addf %mul3A_467, %mul3A_499 : vector<16xf32>
        %mul3A_501 = arith.mulf %bitcast3A_494, %bitcast3A_498 : vector<16xf32>
        %add3A_502 = arith.addf %mul3A_468, %mul3A_501 : vector<16xf32>
        %get3A_503 = arith.constant 0 : i32
        %get3A_504 = arith.constant 0 : i32
        %get3A_505 = tpu.memref_slice %arg6[%scan3A_270, %get3A_503, %get3A_504] : memref<2x128x64xi32, #tpu.memory_space<vmem>> -> memref<1x128x64xi32, #tpu.memory_space<vmem>>
        %get3A_506 = tpu.memref_squeeze %get3A_505 : memref<1x128x64xi32, #tpu.memory_space<vmem>> -> memref<128x64xi32, #tpu.memory_space<vmem>>
        %get3A_507 = arith.index_cast %add3A_436 : i32 to index
        %get3A_508 = arith.constant 32 : index
        %get3A_509 = tpu.vector_load %get3A_506[%get3A_507, %get3A_508] {strides = array<i32>} : memref<128x64xi32, #tpu.memory_space<vmem>>, vector<16xi32>,
        %get3A_510 = arith.constant 0 : i32
        %get3A_511 = arith.constant 0 : i32
        %get3A_512 = tpu.memref_slice %arg7[%scan3A_271, %get3A_510, %get3A_511] : memref<2x128x64xi32, #tpu.memory_space<vmem>> -> memref<1x128x64xi32, #tpu.memory_space<vmem>>
        %get3A_513 = tpu.memref_squeeze %get3A_512 : memref<1x128x64xi32, #tpu.memory_space<vmem>> -> memref<128x64xi32, #tpu.memory_space<vmem>>
        %get3A_514 = arith.index_cast %add3A_436 : i32 to index
        %get3A_515 = arith.constant 32 : index
        %get3A_516 = tpu.vector_load %get3A_513[%get3A_514, %get3A_515] {strides = array<i32>} : memref<128x64xi32, #tpu.memory_space<vmem>>, vector<16xi32>,
        %and3A_517 = arith.constant -65536 : i32
        %and3A_518 = vector.broadcast %and3A_517 : i32 to vector<16xi32>
        %and3A_519 = arith.andi %get3A_509, %and3A_518 : vector<16xi32>
        %bitcast3A_520 = vector.bitcast %and3A_519 : vector<16xi32> to vector<16xf32>
        %and3A_521 = arith.constant -65536 : i32
        %and3A_522 = vector.broadcast %and3A_521 : i32 to vector<16xi32>
        %and3A_523 = arith.andi %get3A_516, %and3A_522 : vector<16xi32>
        %bitcast3A_524 = vector.bitcast %and3A_523 : vector<16xi32> to vector<16xf32>
        %shift_left3A_525 = arith.constant 16 : i32
        %shift_left3A_526 = vector.broadcast %shift_left3A_525 : i32 to vector<16xi32>
        %shift_left3A_527 = arith.shli %get3A_509, %shift_left3A_526 : vector<16xi32>
        %bitcast3A_528 = vector.bitcast %shift_left3A_527 : vector<16xi32> to vector<16xf32>
        %shift_left3A_529 = arith.constant 16 : i32
        %shift_left3A_530 = vector.broadcast %shift_left3A_529 : i32 to vector<16xi32>
        %shift_left3A_531 = arith.shli %get3A_516, %shift_left3A_530 : vector<16xi32>
        %bitcast3A_532 = vector.bitcast %shift_left3A_531 : vector<16xi32> to vector<16xf32>
        %mul3A_533 = arith.mulf %bitcast3A_520, %bitcast3A_524 : vector<16xf32>
        %add3A_534 = arith.addf %add3A_500, %mul3A_533 : vector<16xf32>
        %mul3A_535 = arith.mulf %bitcast3A_528, %bitcast3A_532 : vector<16xf32>
        %add3A_536 = arith.addf %add3A_502, %mul3A_535 : vector<16xf32>
        %get3A_537 = arith.constant 0 : i32
        %get3A_538 = arith.constant 0 : i32
        %get3A_539 = tpu.memref_slice %arg6[%scan3A_270, %get3A_537, %get3A_538] : memref<2x128x64xi32, #tpu.memory_space<vmem>> -> memref<1x128x64xi32, #tpu.memory_space<vmem>>
        %get3A_540 = tpu.memref_squeeze %get3A_539 : memref<1x128x64xi32, #tpu.memory_space<vmem>> -> memref<128x64xi32, #tpu.memory_space<vmem>>
        %get3A_541 = arith.index_cast %add3A_436 : i32 to index
        %get3A_542 = arith.constant 48 : index
        %get3A_543 = tpu.vector_load %get3A_540[%get3A_541, %get3A_542] {strides = array<i32>} : memref<128x64xi32, #tpu.memory_space<vmem>>, vector<16xi32>,
        %get3A_544 = arith.constant 0 : i32
        %get3A_545 = arith.constant 0 : i32
        %get3A_546 = tpu.memref_slice %arg7[%scan3A_271, %get3A_544, %get3A_545] : memref<2x128x64xi32, #tpu.memory_space<vmem>> -> memref<1x128x64xi32, #tpu.memory_space<vmem>>
        %get3A_547 = tpu.memref_squeeze %get3A_546 : memref<1x128x64xi32, #tpu.memory_space<vmem>> -> memref<128x64xi32, #tpu.memory_space<vmem>>
        %get3A_548 = arith.index_cast %add3A_436 : i32 to index
        %get3A_549 = arith.constant 48 : index
        %get3A_550 = tpu.vector_load %get3A_547[%get3A_548, %get3A_549] {strides = array<i32>} : memref<128x64xi32, #tpu.memory_space<vmem>>, vector<16xi32>,
        %and3A_551 = arith.constant -65536 : i32
        %and3A_552 = vector.broadcast %and3A_551 : i32 to vector<16xi32>
        %and3A_553 = arith.andi %get3A_543, %and3A_552 : vector<16xi32>
        %bitcast3A_554 = vector.bitcast %and3A_553 : vector<16xi32> to vector<16xf32>
        %and3A_555 = arith.constant -65536 : i32
        %and3A_556 = vector.broadcast %and3A_555 : i32 to vector<16xi32>
        %and3A_557 = arith.andi %get3A_550, %and3A_556 : vector<16xi32>
        %bitcast3A_558 = vector.bitcast %and3A_557 : vector<16xi32> to vector<16xf32>
        %shift_left3A_559 = arith.constant 16 : i32
        %shift_left3A_560 = vector.broadcast %shift_left3A_559 : i32 to vector<16xi32>
        %shift_left3A_561 = arith.shli %get3A_543, %shift_left3A_560 : vector<16xi32>
        %bitcast3A_562 = vector.bitcast %shift_left3A_561 : vector<16xi32> to vector<16xf32>
        %shift_left3A_563 = arith.constant 16 : i32
        %shift_left3A_564 = vector.broadcast %shift_left3A_563 : i32 to vector<16xi32>
        %shift_left3A_565 = arith.shli %get3A_550, %shift_left3A_564 : vector<16xi32>
        %bitcast3A_566 = vector.bitcast %shift_left3A_565 : vector<16xi32> to vector<16xf32>
        %mul3A_567 = arith.mulf %bitcast3A_554, %bitcast3A_558 : vector<16xf32>
        %add3A_568 = arith.addf %add3A_534, %mul3A_567 : vector<16xf32>
        %mul3A_569 = arith.mulf %bitcast3A_562, %bitcast3A_566 : vector<16xf32>
        %add3A_570 = arith.addf %add3A_536, %mul3A_569 : vector<16xf32>
        %add3A_571 = arith.addf %add3A_568, %add3A_570 : vector<16xf32>
        %broadcast_in_dim3A = vector.shape_cast %xor3A_4 : vector<16xi32> to vector<16x1xi32>
        %gather3A = vector.shape_cast %broadcast_in_dim3A : vector<16x1xi32> to vector<16xi32>
        %gather3A_572 = tpu.dynamic_gather %add3A_434[%gather3A] in [0] : vector<16xf32>, vector<16xi32> -> vector<16xf32>
        %broadcast_in_dim3A_573 = vector.shape_cast %xor3A_4 : vector<16xi32> to vector<16x1xi32>
        %gather3A_574 = vector.shape_cast %broadcast_in_dim3A_573 : vector<16x1xi32> to vector<16xi32>
        %gather3A_575 = tpu.dynamic_gather %add3A_571[%gather3A_574] in [0] : vector<16xf32>, vector<16xi32> -> vector<16xf32>
        %select_n3A = arith.select %eq3A_17, %add3A_434, %gather3A_575 : vector<16xi1>, vector<16xf32>
        %select_n3A_576 = arith.select %eq3A_17, %gather3A_572, %add3A_571 : vector<16xi1>, vector<16xf32>
        %add3A_577 = arith.addf %select_n3A, %select_n3A_576 : vector<16xf32>
        %swap3A = arith.index_cast %scan3A_299 : i32 to index
        %swap3A_578 = arith.constant 0 : index
        %swap3A_579 = tpu.vector_load %arg9[%swap3A, %swap3A_578] {strides = array<i32>} : memref<64x16xf32, #tpu.memory_space<vmem>>, vector<16xf32>,
        tpu.vector_store %arg9[%swap3A, %swap3A_578], %add3A_577 {strides = array<i32>} : memref<64x16xf32, #tpu.memory_space<vmem>>, vector<16xf32>,
        %scan3A_580 = arith.constant 0 : i32
        scf.yield %scan3A_580 : i32
      }
      %scan3A_278 = arith.constant 64 : i32
      %scan3A_279 = arith.constant 1 : i32
      %scan3A_280 = arith.constant 0 : i32
      %scan3A_281 = arith.constant 0 : i32
      %scan3A_282 = arith.constant 8 : i32
      %scan3A_283 = arith.addi %scan3A_281, %scan3A_282 : i32
      %scan3A_284 = arith.constant 1 : i32
      %scan3A_285 = scf.for %scan3A_299 = %scan3A_281 to %scan3A_283 step %scan3A_284 iter_args(%scan3A_300 = %scan3A_280) -> (i32)  : i32 {
        %mul3A_301 = arith.constant 8 : i32
        %mul3A_302 = arith.muli %scan3A_299, %mul3A_301 : i32
        %add3A_303 = arith.constant 0 : i32
        %add3A_304 = arith.addi %mul3A_302, %add3A_303 : i32
        %get3A = arith.index_cast %add3A_304 : i32 to index
        %get3A_305 = arith.constant 0 : index
        %get3A_306 = tpu.vector_load %arg9[%get3A, %get3A_305] {strides = array<i32>} : memref<64x16xf32, #tpu.memory_space<vmem>>, vector<16xf32>,
        %add3A_307 = arith.constant 1 : i32
        %add3A_308 = arith.addi %mul3A_302, %add3A_307 : i32
        %get3A_309 = arith.index_cast %add3A_308 : i32 to index
        %get3A_310 = arith.constant 0 : index
        %get3A_311 = tpu.vector_load %arg9[%get3A_309, %get3A_310] {strides = array<i32>} : memref<64x16xf32, #tpu.memory_space<vmem>>, vector<16xf32>,
        %broadcast_in_dim3A = vector.shape_cast %xor3A_7 : vector<16xi32> to vector<16x1xi32>
        %gather3A = vector.shape_cast %broadcast_in_dim3A : vector<16x1xi32> to vector<16xi32>
        %gather3A_312 = tpu.dynamic_gather %get3A_306[%gather3A] in [0] : vector<16xf32>, vector<16xi32> -> vector<16xf32>
        %broadcast_in_dim3A_313 = vector.shape_cast %xor3A_7 : vector<16xi32> to vector<16x1xi32>
        %gather3A_314 = vector.shape_cast %broadcast_in_dim3A_313 : vector<16x1xi32> to vector<16xi32>
        %gather3A_315 = tpu.dynamic_gather %get3A_311[%gather3A_314] in [0] : vector<16xf32>, vector<16xi32> -> vector<16xf32>
        %select_n3A = arith.select %eq3A_23, %get3A_306, %gather3A_315 : vector<16xi1>, vector<16xf32>
        %select_n3A_316 = arith.select %eq3A_23, %gather3A_312, %get3A_311 : vector<16xi1>, vector<16xf32>
        %add3A_317 = arith.addf %select_n3A, %select_n3A_316 : vector<16xf32>
        %add3A_318 = arith.constant 2 : i32
        %add3A_319 = arith.addi %mul3A_302, %add3A_318 : i32
        %get3A_320 = arith.index_cast %add3A_319 : i32 to index
        %get3A_321 = arith.constant 0 : index
        %get3A_322 = tpu.vector_load %arg9[%get3A_320, %get3A_321] {strides = array<i32>} : memref<64x16xf32, #tpu.memory_space<vmem>>, vector<16xf32>,
        %add3A_323 = arith.constant 3 : i32
        %add3A_324 = arith.addi %mul3A_302, %add3A_323 : i32
        %get3A_325 = arith.index_cast %add3A_324 : i32 to index
        %get3A_326 = arith.constant 0 : index
        %get3A_327 = tpu.vector_load %arg9[%get3A_325, %get3A_326] {strides = array<i32>} : memref<64x16xf32, #tpu.memory_space<vmem>>, vector<16xf32>,
        %broadcast_in_dim3A_328 = vector.shape_cast %xor3A_7 : vector<16xi32> to vector<16x1xi32>
        %gather3A_329 = vector.shape_cast %broadcast_in_dim3A_328 : vector<16x1xi32> to vector<16xi32>
        %gather3A_330 = tpu.dynamic_gather %get3A_322[%gather3A_329] in [0] : vector<16xf32>, vector<16xi32> -> vector<16xf32>
        %broadcast_in_dim3A_331 = vector.shape_cast %xor3A_7 : vector<16xi32> to vector<16x1xi32>
        %gather3A_332 = vector.shape_cast %broadcast_in_dim3A_331 : vector<16x1xi32> to vector<16xi32>
        %gather3A_333 = tpu.dynamic_gather %get3A_327[%gather3A_332] in [0] : vector<16xf32>, vector<16xi32> -> vector<16xf32>
        %select_n3A_334 = arith.select %eq3A_23, %get3A_322, %gather3A_333 : vector<16xi1>, vector<16xf32>
        %select_n3A_335 = arith.select %eq3A_23, %gather3A_330, %get3A_327 : vector<16xi1>, vector<16xf32>
        %add3A_336 = arith.addf %select_n3A_334, %select_n3A_335 : vector<16xf32>
        %add3A_337 = arith.constant 4 : i32
        %add3A_338 = arith.addi %mul3A_302, %add3A_337 : i32
        %get3A_339 = arith.index_cast %add3A_338 : i32 to index
        %get3A_340 = arith.constant 0 : index
        %get3A_341 = tpu.vector_load %arg9[%get3A_339, %get3A_340] {strides = array<i32>} : memref<64x16xf32, #tpu.memory_space<vmem>>, vector<16xf32>,
        %add3A_342 = arith.constant 5 : i32
        %add3A_343 = arith.addi %mul3A_302, %add3A_342 : i32
        %get3A_344 = arith.index_cast %add3A_343 : i32 to index
        %get3A_345 = arith.constant 0 : index
        %get3A_346 = tpu.vector_load %arg9[%get3A_344, %get3A_345] {strides = array<i32>} : memref<64x16xf32, #tpu.memory_space<vmem>>, vector<16xf32>,
        %broadcast_in_dim3A_347 = vector.shape_cast %xor3A_7 : vector<16xi32> to vector<16x1xi32>
        %gather3A_348 = vector.shape_cast %broadcast_in_dim3A_347 : vector<16x1xi32> to vector<16xi32>
        %gather3A_349 = tpu.dynamic_gather %get3A_341[%gather3A_348] in [0] : vector<16xf32>, vector<16xi32> -> vector<16xf32>
        %broadcast_in_dim3A_350 = vector.shape_cast %xor3A_7 : vector<16xi32> to vector<16x1xi32>
        %gather3A_351 = vector.shape_cast %broadcast_in_dim3A_350 : vector<16x1xi32> to vector<16xi32>
        %gather3A_352 = tpu.dynamic_gather %get3A_346[%gather3A_351] in [0] : vector<16xf32>, vector<16xi32> -> vector<16xf32>
        %select_n3A_353 = arith.select %eq3A_23, %get3A_341, %gather3A_352 : vector<16xi1>, vector<16xf32>
        %select_n3A_354 = arith.select %eq3A_23, %gather3A_349, %get3A_346 : vector<16xi1>, vector<16xf32>
        %add3A_355 = arith.addf %select_n3A_353, %select_n3A_354 : vector<16xf32>
        %add3A_356 = arith.constant 6 : i32
        %add3A_357 = arith.addi %mul3A_302, %add3A_356 : i32
        %get3A_358 = arith.index_cast %add3A_357 : i32 to index
        %get3A_359 = arith.constant 0 : index
        %get3A_360 = tpu.vector_load %arg9[%get3A_358, %get3A_359] {strides = array<i32>} : memref<64x16xf32, #tpu.memory_space<vmem>>, vector<16xf32>,
        %add3A_361 = arith.constant 7 : i32
        %add3A_362 = arith.addi %mul3A_302, %add3A_361 : i32
        %get3A_363 = arith.index_cast %add3A_362 : i32 to index
        %get3A_364 = arith.constant 0 : index
        %get3A_365 = tpu.vector_load %arg9[%get3A_363, %get3A_364] {strides = array<i32>} : memref<64x16xf32, #tpu.memory_space<vmem>>, vector<16xf32>,
        %broadcast_in_dim3A_366 = vector.shape_cast %xor3A_7 : vector<16xi32> to vector<16x1xi32>
        %gather3A_367 = vector.shape_cast %broadcast_in_dim3A_366 : vector<16x1xi32> to vector<16xi32>
        %gather3A_368 = tpu.dynamic_gather %get3A_360[%gather3A_367] in [0] : vector<16xf32>, vector<16xi32> -> vector<16xf32>
        %broadcast_in_dim3A_369 = vector.shape_cast %xor3A_7 : vector<16xi32> to vector<16x1xi32>
        %gather3A_370 = vector.shape_cast %broadcast_in_dim3A_369 : vector<16x1xi32> to vector<16xi32>
        %gather3A_371 = tpu.dynamic_gather %get3A_365[%gather3A_370] in [0] : vector<16xf32>, vector<16xi32> -> vector<16xf32>
        %select_n3A_372 = arith.select %eq3A_23, %get3A_360, %gather3A_371 : vector<16xi1>, vector<16xf32>
        %select_n3A_373 = arith.select %eq3A_23, %gather3A_368, %get3A_365 : vector<16xi1>, vector<16xf32>
        %add3A_374 = arith.addf %select_n3A_372, %select_n3A_373 : vector<16xf32>
        %broadcast_in_dim3A_375 = vector.shape_cast %xor3A_10 : vector<16xi32> to vector<16x1xi32>
        %gather3A_376 = vector.shape_cast %broadcast_in_dim3A_375 : vector<16x1xi32> to vector<16xi32>
        %gather3A_377 = tpu.dynamic_gather %add3A_317[%gather3A_376] in [0] : vector<16xf32>, vector<16xi32> -> vector<16xf32>
        %broadcast_in_dim3A_378 = vector.shape_cast %xor3A_10 : vector<16xi32> to vector<16x1xi32>
        %gather3A_379 = vector.shape_cast %broadcast_in_dim3A_378 : vector<16x1xi32> to vector<16xi32>
        %gather3A_380 = tpu.dynamic_gather %add3A_336[%gather3A_379] in [0] : vector<16xf32>, vector<16xi32> -> vector<16xf32>
        %select_n3A_381 = arith.select %eq3A_29, %add3A_317, %gather3A_380 : vector<16xi1>, vector<16xf32>
        %select_n3A_382 = arith.select %eq3A_29, %gather3A_377, %add3A_336 : vector<16xi1>, vector<16xf32>
        %add3A_383 = arith.addf %select_n3A_381, %select_n3A_382 : vector<16xf32>
        %broadcast_in_dim3A_384 = vector.shape_cast %xor3A_10 : vector<16xi32> to vector<16x1xi32>
        %gather3A_385 = vector.shape_cast %broadcast_in_dim3A_384 : vector<16x1xi32> to vector<16xi32>
        %gather3A_386 = tpu.dynamic_gather %add3A_355[%gather3A_385] in [0] : vector<16xf32>, vector<16xi32> -> vector<16xf32>
        %broadcast_in_dim3A_387 = vector.shape_cast %xor3A_10 : vector<16xi32> to vector<16x1xi32>
        %gather3A_388 = vector.shape_cast %broadcast_in_dim3A_387 : vector<16x1xi32> to vector<16xi32>
        %gather3A_389 = tpu.dynamic_gather %add3A_374[%gather3A_388] in [0] : vector<16xf32>, vector<16xi32> -> vector<16xf32>
        %select_n3A_390 = arith.select %eq3A_29, %add3A_355, %gather3A_389 : vector<16xi1>, vector<16xf32>
        %select_n3A_391 = arith.select %eq3A_29, %gather3A_386, %add3A_374 : vector<16xi1>, vector<16xf32>
        %add3A_392 = arith.addf %select_n3A_390, %select_n3A_391 : vector<16xf32>
        %broadcast_in_dim3A_393 = vector.shape_cast %xor3A_13 : vector<16xi32> to vector<16x1xi32>
        %gather3A_394 = vector.shape_cast %broadcast_in_dim3A_393 : vector<16x1xi32> to vector<16xi32>
        %gather3A_395 = tpu.dynamic_gather %add3A_383[%gather3A_394] in [0] : vector<16xf32>, vector<16xi32> -> vector<16xf32>
        %broadcast_in_dim3A_396 = vector.shape_cast %xor3A_13 : vector<16xi32> to vector<16x1xi32>
        %gather3A_397 = vector.shape_cast %broadcast_in_dim3A_396 : vector<16x1xi32> to vector<16xi32>
        %gather3A_398 = tpu.dynamic_gather %add3A_392[%gather3A_397] in [0] : vector<16xf32>, vector<16xi32> -> vector<16xf32>
        %select_n3A_399 = arith.select %eq3A_35, %add3A_383, %gather3A_398 : vector<16xi1>, vector<16xf32>
        %select_n3A_400 = arith.select %eq3A_35, %gather3A_395, %add3A_392 : vector<16xi1>, vector<16xf32>
        %add3A_401 = arith.addf %select_n3A_399, %select_n3A_400 : vector<16xf32>
        %mul3A_402 = arith.constant 16 : i32
        %mul3A_403 = arith.muli %scan3A_299, %mul3A_402 : i32
        %swap3A = arith.constant 0 : i32
        %swap3A_404 = tpu.memref_slice %arg8[%scan3A_279, %swap3A] : memref<2x128xf32, #tpu.memory_space<vmem>> -> memref<1x128xf32, #tpu.memory_space<vmem>>
        %swap3A_405 = tpu.memref_squeeze %swap3A_404 : memref<1x128xf32, #tpu.memory_space<vmem>> -> memref<128xf32, #tpu.memory_space<vmem>>
        %swap3A_406 = arith.index_cast %mul3A_403 : i32 to index
        %swap3A_407 = tpu.vector_load %swap3A_405[%swap3A_406] {strides = array<i32>} : memref<128xf32, #tpu.memory_space<vmem>>, vector<16xf32>,
        tpu.vector_store %swap3A_405[%swap3A_406], %add3A_401 {strides = array<i32>} : memref<128xf32, #tpu.memory_space<vmem>>, vector<16xf32>,
        %scan3A_408 = arith.constant 0 : i32
        scf.yield %scan3A_408 : i32
      }
      %scan3A_286 = arith.constant 8 : i32
      %add3A_287 = arith.addi %mul3A_2, %add3A_224 : i32
      %mul3A_288 = arith.constant 128 : i32
      %mul3A_289 = arith.muli %add3A_287, %mul3A_288 : i32
      %dma_start3A_290 = arith.constant 1 : i32
      %dma_start3A_291 = arith.constant 0 : i32
      %dma_start3A_292 = tpu.memref_slice %arg8[%dma_start3A_290, %dma_start3A_291] : memref<2x128xf32, #tpu.memory_space<vmem>> -> memref<1x128xf32, #tpu.memory_space<vmem>>
      %dma_start3A_293 = tpu.memref_squeeze %dma_start3A_292 : memref<1x128xf32, #tpu.memory_space<vmem>> -> memref<128xf32, #tpu.memory_space<vmem>>
      %dma_start3A_294 = tpu.memref_slice %arg4[%mul3A_289] : memref<327680xf32, #tpu.memory_space<hbm>> -> memref<128xf32, #tpu.memory_space<hbm>>
      %dma_start3A_295 = tpu.memref_slice %arg4[%mul3A_289] : memref<327680xf32, #tpu.memory_space<hbm>> -> memref<128xf32, #tpu.memory_space<hbm>>
      %dma_start3A_296 = arith.constant 0 : i32
      %dma_start3A_297 = tpu.memref_slice %arg8[%dma_start3A_290, %dma_start3A_296] : memref<2x128xf32, #tpu.memory_space<vmem>> -> memref<1x128xf32, #tpu.memory_space<vmem>>
      %dma_start3A_298 = tpu.memref_squeeze %dma_start3A_297 : memref<1x128xf32, #tpu.memory_space<vmem>> -> memref<128xf32, #tpu.memory_space<vmem>>
      tpu.enqueue_dma source(%dma_start3A_298 : memref<128xf32, #tpu.memory_space<vmem>>) target(%dma_start3A_295 : memref<128xf32, #tpu.memory_space<hbm>>) target_semaphore(%arg16 : memref<!tpu.dma_semaphore, #tpu.memory_space<semaphore_mem>>)
    }
    %scan3A_123 = arith.constant 40 : i32
    %dma_wait3A_124 = arith.constant 0 : i32
    %dma_wait3A_125 = arith.constant 0 : i32
    %dma_wait3A_126 = tpu.memref_slice %arg8[%dma_wait3A_124, %dma_wait3A_125] : memref<2x128xf32, #tpu.memory_space<vmem>> -> memref<1x128xf32, #tpu.memory_space<vmem>>
    %dma_wait3A_127 = tpu.memref_squeeze %dma_wait3A_126 : memref<1x128xf32, #tpu.memory_space<vmem>> -> memref<128xf32, #tpu.memory_space<vmem>>
    %dma_wait3A_128 = arith.constant 0 : i32
    %dma_wait3A_129 = tpu.memref_slice %arg4[%dma_wait3A_128] : memref<327680xf32, #tpu.memory_space<hbm>> -> memref<128xf32, #tpu.memory_space<hbm>>
    %dma_wait3A_130 = arith.constant 0 : i32
    %dma_wait3A_131 = tpu.memref_slice %arg4[%dma_wait3A_130] : memref<327680xf32, #tpu.memory_space<hbm>> -> memref<128xf32, #tpu.memory_space<hbm>>
    %dma_wait3A_132 = arith.constant 0 : i32
    %dma_wait3A_133 = tpu.memref_slice %arg8[%dma_wait3A_124, %dma_wait3A_132] : memref<2x128xf32, #tpu.memory_space<vmem>> -> memref<1x128xf32, #tpu.memory_space<vmem>>
    %dma_wait3A_134 = tpu.memref_squeeze %dma_wait3A_133 : memref<1x128xf32, #tpu.memory_space<vmem>> -> memref<128xf32, #tpu.memory_space<vmem>>
    tpu.wait_dma2 semaphore(%arg15 : memref<!tpu.dma_semaphore, #tpu.memory_space<semaphore_mem>>) src(%dma_wait3A_134 : memref<128xf32, #tpu.memory_space<vmem>>) dst(%dma_wait3A_131 : memref<128xf32, #tpu.memory_space<hbm>>)
    %dma_wait3A_135 = arith.constant 1 : i32
    %dma_wait3A_136 = arith.constant 0 : i32
    %dma_wait3A_137 = tpu.memref_slice %arg8[%dma_wait3A_135, %dma_wait3A_136] : memref<2x128xf32, #tpu.memory_space<vmem>> -> memref<1x128xf32, #tpu.memory_space<vmem>>
    %dma_wait3A_138 = tpu.memref_squeeze %dma_wait3A_137 : memref<1x128xf32, #tpu.memory_space<vmem>> -> memref<128xf32, #tpu.memory_space<vmem>>
    %dma_wait3A_139 = arith.constant 0 : i32
    %dma_wait3A_140 = tpu.memref_slice %arg4[%dma_wait3A_139] : memref<327680xf32, #tpu.memory_space<hbm>> -> memref<128xf32, #tpu.memory_space<hbm>>
    %dma_wait3A_141 = arith.constant 0 : i32
    %dma_wait3A_142 = tpu.memref_slice %arg4[%dma_wait3A_141] : memref<327680xf32, #tpu.memory_space<hbm>> -> memref<128xf32, #tpu.memory_space<hbm>>
    %dma_wait3A_143 = arith.constant 0 : i32
    %dma_wait3A_144 = tpu.memref_slice %arg8[%dma_wait3A_135, %dma_wait3A_143] : memref<2x128xf32, #tpu.memory_space<vmem>> -> memref<1x128xf32, #tpu.memory_space<vmem>>
    %dma_wait3A_145 = tpu.memref_squeeze %dma_wait3A_144 : memref<1x128xf32, #tpu.memory_space<vmem>> -> memref<128xf32, #tpu.memory_space<vmem>>
    tpu.wait_dma2 semaphore(%arg16 : memref<!tpu.dma_semaphore, #tpu.memory_space<semaphore_mem>>) src(%dma_wait3A_145 : memref<128xf32, #tpu.memory_space<vmem>>) dst(%dma_wait3A_142 : memref<128xf32, #tpu.memory_space<hbm>>)
    return
  }
}

</mosaic_0001>

<sc_bundles>
// kernel: kernel.3.cloned.1.call-start
scs
__scs_entry_jumppad:
0x0: {  	(pc) =	sbr.rel $0x88, $3  }
0x1: {  	(tag) =	ssettag $0x0;
	lr =	simm.s32 $0x1  }
0x2: {  	[smem:$0x3F9F] =	sst lr;
	_ =	strace $0xD0000000  }
0x3: {  	_ = 	snop  }
0x4: {  	_ = 	snop  }
0x5: {  	_ = 	snop  }
0x6: {  	_ = 	snop  }
0x7: {  	_ = 	snop  }
__scs_overlays_trampoline_lowered:
0x8: {  	[smem:$0x3FAE] =	sst s0  }
0x9: {  	[smem:$0x3FAF] =	sst s1  }
0xa: {  	[smem:$0x3FB0] =	sst s2  }
0xb: {  	[smem:$0x3FB1] =	sst s3  }
0xc: {  	[smem:$0x3FB2] =	sst s4  }
0xd: {  	[smem:$0x3FB3] =	sst s5  }
0xe: {  	[smem:$0x3FB4] =	sst s6  }
0xf: {  	[smem:$0x3FB5] =	sst s7  }
0x10: {  	[smem:$0x3FB6] =	sst s8  }
0x11: {  	[smem:$0x3FB7] =	sst s9;
	s0 =	simm.s32 @!p0 $0x0  }
0x12: {  	s1 =	sld [smem:$0x3F9D];
	s0 =	simm.s32 @p0 $0x1  }
0x13: {  	[smem:$0x3FB8] =	sst s0;
	s0 =	simm.s32 @!p1 $0x0  }
0x14: {  	s2 =	sld [smem:$0x3F9C];
	s0 =	simm.s32 @p1 $0x1  }
0x15: {  	[smem:$0x3FB9] =	sst s0;
	s0 =	simm.s32 @!p2 $0x0  }
0x16: {  	s3 =	sld [smem:$0x3FDB];
	s0 =	simm.s32 @p2 $0x1  }
0x17: {  	s4 =	simm.s32 $0x1BF5;
	[smem:$0x3FBB] =	sst s0  }
0x18: {  	s0 =	sld [smem:$0x3F9E];
	_ =	swait.ge [sflag:s4], $0x0  }
0x19: {  	s7 =	sld [smem:$0x3F9F]  }
0x1a: {  	s8 =	sadd.s32 $0xFFFFE003, lr  }
0x1b: {  	s9 =	sadd.s32 $0xFFFFFEF7, lr;
	s5 =	simm.s32 $0xFFFFFFFF;
	p2 =	slt.u32 s8, $0xFFFFF086  }
0x1c: {  	p1 =	slt.u32 s9, $0xF7A;
	s5 =	simm.s32 @!p2 $0x0  }
0x1d: {  	s5 =	simm.s32 @p1 $0x1;
	p0 =	seq.s32 s7, s2  }
0x1e: {  	s7 =	smul.u32 @!p0 $0xF7A, s2;
	p2 =	seq.s32 @!p0 s5, $0x0  }
0x1f: {  	s9 =	smul.u32 $0xF7A, s1;
	s8 =	simm.s32 @!p0 $0x1BF5;
	p2 =	por !p2, p0  }
0x20: {  	[sflag:s8] =	ssyncset.s32 @!p0 $0xFFFFF086;
	s6 =	sadd.s32 @!p0 s3, s7;
	s7 =	simm.s32 @!p0 $0x108  }
0x21: {  	s3 =	sadd.s32 s3, s9;
	s6 =	sadd.s32 @!p0 $0x88, s6;
	s7 =	simm.s32 @p2 $0x1082  }
0x22: {  	[simem:s7], [sflag:s8] =	dma.local @!p0 [hbm:s6], $0xF7A  }
0x23: {  	s9 =	sor.u32 $0xD0000000, s2;
	s6 =	simm.s32 $0x108;
	_ =	swait.ge @!p0 [sflag:s8], $0x0  }
0x24: {  	s3 =	sadd.s32 $0x88, s3;
	s6 =	simm.s32 @!p1 $0x1082;
	[sflag:s4] =	ssyncset.s32 $0xFFFFF086  }
0x25: {  	[simem:s6], [sflag:s4] =	dma.local [hbm:s3], $0xF7A  }
0x26: {  	[smem:$0x3F9F] =	sst s1;
	(tag) =	ssettag s2;
	_ =	strace s9  }
0x27: {  	s1 =	sld [smem:$0x3FAF]  }
0x28: {  	s2 =	sld [smem:$0x3FB0]  }
0x29: {  	s4 =	sld [smem:$0x3FB2]  }
0x2a: {  	p0 =	seq.s32 s5, $0x0;
	s5 =	sld [smem:$0x3FB3]  }
0x2b: {  	s6 =	sld [smem:$0x3FB4]  }
0x2c: {  	s7 =	sld [smem:$0x3FB5]  }
0x2d: {  	s3 =	simm.s32 $0x108;
	s8 =	sld [smem:$0x3FB6]  }
0x2e: {  	s3 =	simm.s32 @!p0 $0x1082;
	s9 =	sld [smem:$0x3FB7]  }
0x2f: {  	lr =	sadd.s32 s0, s3;
	s0 =	sld [smem:$0x3FAE]  }
0x30: {  	s3 =	sld [smem:$0x3FB1]  }
0x31: {  	[smem:$0x3FBA] =	sst s10  }
0x32: {  	s10 =	sld [smem:$0x3FB8];
	_ =	sdelay $0x3  }
0x33: {  	p0 =	seq.s32 s10, $0x1;
	s10 =	sld [smem:$0x3FBA];
	_ =	sdelay $0x3  }
0x34: {  	[smem:$0x3FBA] =	sst s10  }
0x35: {  	s10 =	sld [smem:$0x3FB9];
	_ =	sdelay $0x3  }
0x36: {  	p1 =	seq.s32 s10, $0x1;
	s10 =	sld [smem:$0x3FBA];
	_ =	sdelay $0x3  }
0x37: {  	[smem:$0x3FBA] =	sst s10  }
0x38: {  	s10 =	sld [smem:$0x3FBB]  }
0x39: {  	_ = 	snop;
	(pc) =	sbr.ind lr, $3  }
0x3a: {  	_ = 	snop  }
0x3b: {  	_ = 	snop  }
0x3c: {  	p2 =	seq.s32 s10, $0x1;
	s10 =	sld [smem:$0x3FBA]  }
0x3d: {  	_ =	shalt  }
0x3e: {  	_ =	shalt  }
0x3f: {  	_ =	shalt  }
0x40: {  	_ =	shalt  }
0x41: {  	_ =	shalt  }
0x42: {  	_ =	shalt  }
0x43: {  	_ =	shalt  }
0x44: {  	_ =	shalt  }
0x45: {  	_ =	shalt  }
0x46: {  	_ =	shalt  }
0x47: {  	_ =	shalt  }
0x48: {  	_ =	shalt  }
0x49: {  	_ =	shalt  }
0x4a: {  	_ =	shalt  }
0x4b: {  	_ =	shalt  }
0x4c: {  	_ =	shalt  }
0x4d: {  	_ =	shalt  }
0x4e: {  	_ =	shalt  }
0x4f: {  	_ =	shalt  }
0x50: {  	_ =	shalt  }
0x51: {  	_ =	shalt  }
0x52: {  	_ =	shalt  }
0x53: {  	_ =	shalt  }
0x54: {  	_ =	shalt  }
0x55: {  	_ =	shalt  }
0x56: {  	_ =	shalt  }
0x57: {  	_ =	shalt  }
0x58: {  	_ =	shalt  }
0x59: {  	_ =	shalt  }
0x5a: {  	_ =	shalt  }
0x5b: {  	_ =	shalt  }
0x5c: {  	_ =	shalt  }
0x5d: {  	_ =	shalt  }
0x5e: {  	_ =	shalt  }
0x5f: {  	_ =	shalt  }
0x60: {  	_ =	shalt  }
0x61: {  	_ =	shalt  }
0x62: {  	_ =	shalt  }
0x63: {  	_ =	shalt  }
0x64: {  	_ =	shalt  }
0x65: {  	_ =	shalt  }
0x66: {  	_ =	shalt  }
0x67: {  	_ =	shalt  }
0x68: {  	_ =	shalt  }
0x69: {  	_ =	shalt  }
0x6a: {  	_ =	shalt  }
0x6b: {  	_ =	shalt  }
0x6c: {  	_ =	shalt  }
0x6d: {  	_ =	shalt  }
0x6e: {  	_ =	shalt  }
0x6f: {  	_ =	shalt  }
0x70: {  	_ =	shalt  }
0x71: {  	_ =	shalt  }
0x72: {  	_ =	shalt  }
0x73: {  	_ =	shalt  }
0x74: {  	_ =	shalt  }
0x75: {  	_ =	shalt  }
0x76: {  	_ =	shalt  }
0x77: {  	_ =	shalt  }
0x78: {  	_ =	shalt  }
0x79: {  	_ =	shalt  }
0x7a: {  	_ =	shalt  }
0x7b: {  	_ =	shalt  }
0x7c: {  	_ =	shalt  }
0x7d: {  	_ =	shalt  }
0x7e: {  	_ =	shalt  }
0x7f: {  	_ =	shalt  }
0x80: {  	_ =	shalt  }
0x81: {  	_ =	shalt  }
0x82: {  	_ =	shalt  }
0x83: {  	_ =	shalt  }
0x84: {  	_ =	shalt  }
0x85: {  	_ =	shalt  }
0x86: {  	_ =	shalt  }
0x87: {  	_ =	shalt  }
.Lfunc_end0:
.L_simem_size_0:
called_computation_lowered:
.L_overlay_start_0:
0x88: {  	s2 =	sld [smem:$0x3FD9]  }
0x89: {  	s3 =	sld [smem:$0x3FFE];
	_ =	sdelay $0x1  }
0x8a: {  	s1 =	srdreg.scid  }
0x8b: {  	s0 =	sand.u32 $0x1, s1  }
0x8c: {  	s16 =	sshll.u32 s0, $0xA;
	s2 =	sadd.s32 s3, s2  }
0x8d: {  	s2 =	sadd.s32 s2, s16  }
0x8e: {  	[smem:$0x3FC6] =	sst s2  }
0x8f: {  	_ = 	snop  }
0x90: {  	(tm) =	ssettm $0x1  }
0x91: {  	s17 =	sld [smem:$0x3FFB];
	_ =	sdelay $0x3  }
0x92: {  	_ =	strace s17  }
0x93: {  	s2 =	sld [smem:$0x3FFC];
	_ =	sdelay $0x3  }
0x94: {  	_ =	strace s2  }
0x95: {  	s2 =	sld [smem:$0x3FFD];
	_ =	sdelay $0x3  }
0x96: {  	_ =	strace s2  }
0x97: {  	_ =	strace $0x8FFFFFFF  }
0x98: {  	s18 =	sld [smem:$0x3FDB];
	_ =	sdelay $0x1  }
0x99: {  	s19 =	simm.s32 $_scs_section_size  }
0x9a: {  	s4 =	simm.s32 $_size__tile_overlayer_lowered;
	s5 =	simm.s32 $_tile_overlayer_lowered  }
0x9b: {  	s22 =	simm.s32 $0x1BFF;
	s21 =	sshll.u32 s5, $0x1;
	s2 =	sadd.s32 s19, s18  }
0x9c: {  	s6 =	simm.s32 $0x0;
	s20 =	sshll.u32 s4, $0x1;
	s4 =	sadd.s32 s21, s2  }
0x9d: {  	[timem:s6], [sflag:s22] =	dma.local [hbm:s4], s20  }
0x9e: {  	_ =	swait.ge [sflag:s22], s20  }
0x9f: {  	s3 =	ssub.s32 $0x0, s20;
	[sflag:s22] =	ssyncset.done $0x0  }
0xa0: {  	[sflag:s22] =	ssyncadd.s32 s3;
	_ =	sdelay $0x1  }
0xa1: {  	s23 =	simm.s32 $0x1B8B  }
0xa2: {  	_ =	swait.ge [sflag:s23], $0x1  }
0xa3: {  	[sflag:s23] =	ssyncset.done $0x0  }
0xa4: {  	s25 =	simm.s32 $0x1B8E;
	s24 =	sld [smem:$0x3FFE];
	[sflag:s23] =	ssyncadd.s32 $0xFFFFFFFF  }
0xa5: {  	s26 =	simm.s32 $execute0_lowered;
	[smem:$0x3FD2] =	sst s25  }
0xa6: {  	s4 =	sshll.u32 s26, $0x1;
	_ =	strace $0x80000046;
	[dreg:$0x1] =	wrdreg $0xFFFFFFFF  }
0xa7: {  	s28 =	simm.s32 $_size_execute0_lowered;
	s2 =	sadd.s32 s2, s4;
	[dreg:$0x0] =	wrdreg $0x0  }
0xa8: {  	s4 =	sshll.u32 s28, $0x1;
	[dreg:$0x2] =	wrdreg s2  }
0xa9: {  	[dreg:$0x3] =	wrdreg s4  }
0xaa: {  	[dreg:$0x4] =	wrdreg $0xC0  }
0xab: {  	_ =	task [dreg:s6], $0x5FFFF  }
0xac: {  	[dreg:$0x1] =	wrdreg $0xFFFFFFFF  }
0xad: {  	[dreg:$0x0] =	wrdreg $0x60  }
0xae: {  	[dreg:$0x2] =	wrdreg s24  }
0xaf: {  	[dreg:$0x3] =	wrdreg $0x87000  }
0xb0: {  	[dreg:$0x4] =	wrdreg $0x9  }
0xb1: {  	_ =	task.clear_ibuf [dreg:s6], $0x5FFFF;
	_ =	strace $0x90000046  }
0xb2: {  	s29 =	simm.s32 $0x9;
	_ =	strace $0x80000048  }
0xb3: {  	_ =	swait.ge [sflag:s29], $0x1  }
0xb4: {  	[sflag:s29] =	ssyncadd.s32 $0xFFFFFFFF  }
0xb5: {  	_ =	strace $0x90000048  }
0xb6: {  	_ =	sfence  }
0xb7: {  	s30 =	sld [smem:$0x0];
	_ =	sdelay $0x2  }
0xb8: {  	s31 =	sshll.u32 s1, $0xD;
	s1 =	sshrl.u32 s1, $0x2  }
0xb9: {  	s3 =	sand.u32 $0x4000, s31;
	s1 =	sadd.s32 s1, s30  }
0xba: {  	s0 =	sor.u32 s3, s0;
	s1 =	sshll.u32 s1, $0x11  }
0xbb: {  	s0 =	sor.u32 s1, s0  }
0xbc: {  	s0 =	sadd.s32 $0x8F2B, s0  }
0xbd: {  	[sflag:s0] =	ssyncadd.remote.s32 $0x1  }
0xbe: {  	_ =	sfence.sel $0xFFFF  }
0xbf: {  	[dreg:$0x0] =	wrdreg $0xFFFFFFFF;
	(pc) =	sbr.abs _section_cstart, $3  }
0xc0: {  	[dreg:$0x1] =	wrdreg $0xFFFFFFFF  }
0xc1: {  	_ =	task.clear_ibuf [dreg:s6], $0x2FFFF;
	_ =	strace $0x9FFFFFFF  }
0xc2: {  	(tm) =	ssettm $0x7FFFFFFF  }
0xc3: {  	_ =	shalt  }
tec
execute0_lowered:
.L_overlay_start_1:
0x0: {  	(tag) =	ssettag $0x1  }
0x1: {  	v0 =	vimm.s32 $0xEFCDAB89  }
0x2: {  	vm0 =	vcmask $0xB08;
	vm1 =	vcmask $0x300;
	v1 =	vimm.s32 $0x67452301  }
0x3: {  	v2 =	vimm.s32 $0xDCFE98BA;
	v3 =	vimm.s32 $0x54761032;
	vm2 =	vcmask $0x700  }
0x4: {  	s0 =	rddreg [dreg:$0x0];
	vm3 =	vcmask $0x3B38;
	v4 =	vimm.s32 $0xFEDCBA98;
	v5 =	vimm.s32 $0x76543210  }
0x5: {  	s1 =	rddreg [dreg:$0x1];
	s2 =	simm.s32 $0x0;
	s3 =	srdreg.scid;
	v0 =	vunpack.c.l.s4.s8 v0;
	vm0 =	vmor vm1, vm0;
	vm1 =	vcmask $0x1310  }
0x6: {  	s10 =	stileid.u32;
	s16 =	simm.s32 $0x7;
	s17 =	simm.s32 $0x100;
	v1 =	vunpack.c.l.s4.s8 v1;
	v2 =	vunpack.c.l.s4.s8 v2;
	v3 =	vunpack.c.l.s4.s8 v3  }
0x7: {  	s18 =	simm.s32 $0x1;
	s19 =	simm.s32 $0x80;
	s22 =	simm.s32 $0x3;
	v4 =	vunpack.c.l.s4.s8 v4;
	vm0 =	vmor vm0, vm1;
	vm1 =	vcmask $0x1B18  }
0x8: {  	s28 =	simm.s32 $0x8200;
	s29 =	simm.s32 $0x4;
	s30 =	simm.s32 $0x8280;
	v0 =	vunpack.c.0.s8.s32 v0;
	vm0 =	vmor vm0, vm1;
	vm1 =	vcmask $0x2320  }
0x9: {  	s31 =	simm.s32 $0x5;
	[smem:$0x7FF] =	sst s2;
	s3 =	sand.u32 $0x1, s3;
	v1 =	vunpack.c.0.s8.s32 v1;
	vm0 =	vmor vm0, vm1;
	vm1 =	vcmask $0x2B28  }
0xa: {  	s4 =	sadd.s32 $0x14000, s0;
	s5 =	sshll.u32 s10, $0x1;
	s8 =	smul.u32 $0xA000, s10;
	v4 =	vunpack.c.0.s8.s32 v4;
	vm0 =	vmor vm0, vm1;
	vm1 =	vcmask $0x3330  }
0xb: {  	s24 =	sshll.u32 s10, $0x6;
	_ =	strace $0x80000047;
	s6 =	ssub.s32 $0x2, s3;
	v0 =	vcombine.low v1, v0;
	v1 =	vunpack.c.0.s8.s32 v2;
	v2 =	vunpack.c.0.s8.s32 v3  }
0xc: {  	s3 =	sor.u32 s3, s5;
	s5 =	sadd.s32 $0x28000, s0;
	s7 =	sshrl.u32 s6, $0x1;
	v3 =	vimm.s32 $0x32107654;
	vm0 =	vmor vm0, vm1;
	vm1 =	vcmask $0x1710  }
0xd: {  	s9 =	smul.u32 $0xA00, s3;
	s23 =	sadd.s32 s8, s1;
	s8 =	sshrl.u32 s8, $0x3;
	v3 =	vunpack.c.l.s4.s8 v3;
	v1 =	vcombine.low v2, v1;
	v2 =	vimm.s32 $0xBA98FEDC  }
0xe: {  	s7 =	ssub.s32 s6, s7;
	s6 =	smul.u32 $0x50, s3;
	s0 =	sadd.s32 s0, s8;
	vm1 =	vmor vm2, vm1;
	vm2 =	vcmask $0x2720;
	v2 =	vunpack.c.l.s4.s8 v2  }
0xf: {  	v5 =	vunpack.c.l.s4.s8 v5;
	s15 =	sshrl.u32 s23, $0x3;
	s23 =	simm.s32 $0x2;
	s3 =	simm.s32 $0x0;
	v4 =	vand.u32 $0xF, v4;
	vm1 =	vmor vm1, vm2  }
0x10: {  	[dreg:$0x3] =	wrdreg s0;
	s8 =	sadd.s32 s4, s9;
	s0 =	sor.u32 $0x1C07, s24;
	vm2 =	vcmask $0x3730;
	v3 =	vunpack.c.0.s8.s32 v3;
	v2 =	vunpack.c.0.s8.s32 v2  }
0x11: {  	s26 =	smax.u32 s7, $0x1;
	s24 =	simm.s32 $0x2200;
	[dreg:$0x4] =	wrdreg s0;
	vm0 =	vmor vm0, vm3;
	vm3 =	vcmask $0xF00;
	vm1 =	vmor vm1, vm2  }
0x12: {  	s25 =	sadd.s32 $0x20, s8;
	s11 =	sor.u32 $0x2, s6;
	s12 =	sor.u32 $0x3, s6;
	vm2 =	vcmask $0x2F20;
	v2 =	vcombine.low v3, v2;
	v3 =	vunpack.c.0.s8.s32 v5  }
0x13: {  	s13 =	sor.u32 $0x1, s6;
	[dreg:$0x6] =	wrdreg s26;
	s26 =	simm.s32 $0x6200;
	v0 =	vand.u32 $0xF, v0;
	v1 =	vand.u32 $0xF, v1;
	vm2 =	vmor vm3, vm2  }
0x14: {  	s0 =	simm.s32 $0x6;
	[dreg:$0x5] =	wrdreg s25;
	s25 =	simm.s32 $0x180;
	vm3 =	vmmov $0xff;
	v2 =	vand.u32 $0xF, v2;
	v3 =	vcombine.low v4, v3  }
.LBB2_1:
0x15: {  	s7 =	rddreg [dreg:$0x3]  }
0x16: {  	s9 =	rddreg [dreg:$0x4]  }
0x17: {  	[spmem:s15], [sflag:s9] =	dma.local [hbm:s7], $0x1400  }
0x18: {  	_ =	swait.ge [sflag:s16], $0x1400  }
0x19: {  	[sflag:s16] =	ssyncset.done $0x0  }
0x1a: {  	[sflag:s16] =	ssyncadd.s32 $0xFFFFEC00  }
0x1b: {  	[bflag:$0x0] =	sbarrier.arrive $0xFFFF  }
0x1c: {  	[tilespmem:s2], [sflag:$0x1] =	stream.linear.gather [hbm4b:s8+s2], $0x100, $0x38;
	[tilespmem:$0x12700] =	vst v63  }
0x1d: {  	s14 =	rddreg [dreg:$0x5]  }
0x1e: {  	[tilespmem:s17], [sflag:$0x2] =	stream.linear.gather [hbm4b:s14+s2], $0x100, $0x38;
	[tilespmem:$0x12700] =	vst v63  }
0x1f: {  	_ =	swait.ge [sflag:s18], $0x100  }
0x20: {  	[sflag:s18] =	ssyncset.done $0x0  }
0x21: {  	s20 =	simm.s32 $0x200;
	[sflag:s18] =	ssyncadd.s32 $0xFFFFFF00  }
0x22: {  	[tilespmem:s20], [sflag:$0x3] =	stream.indirect.gather [spmem:s1], $0x40, s2, s19, $0xb8;
	[tilespmem:$0x12700] =	vst v63  }
0x23: {  	s21 =	simm.s32 $0x4200;
	s20 =	simm.s32 $0x0  }
0x24: {  	[tilespmem:s21], [sflag:$0x3] =	stream.indirect.gather [spmem:s1], $0x40, s19, s19, $0xb8;
	[tilespmem:$0x12700] =	vst v63  }
.LBB2_2:
0x25: {  	_ =	swait.ge [sflag:s22], $0x2000  }
0x26: {  	s21 =	sshll.u32 s20, $0x1;
	p0 =	seq.s32 s20, $0x27;
	[sflag:s22] =	ssyncset.done $0x0  }
0x27: {  	s7 =	sadd.s32 @!p0 s21, s11;
	[sflag:s22] =	ssyncadd.s32 $0xFFFFE000  }
0x28: {  	s7 =	sshll.u32 @!p0 s7, $0x5;
	_ =	swait.ge [sflag:s22], $0x2000  }
0x29: {  	s7 =	sand.u32 @!p0 $0x1FFFFFC0, s7;
	[sflag:s22] =	ssyncset.done $0x0  }
0x2a: {  	s9 =	simm.s32 @!p0 $0x0;
	s7 =	sadd.s32 @!p0 s4, s7;
	[sflag:s22] =	ssyncadd.s32 $0xFFFFE000  }
0x2b: {  	[tilespmem:s9], [sflag:$0x1] =	stream.linear.gather @!p0 [hbm4b:s7+s9], $0x100, $0x38;
	[tilespmem:$0x12700] =	vst v63  }
0x2c: {  	_ =	swait.ge [sflag:s23], $0x100  }
0x2d: {  	[sflag:s23] =	ssyncset.done $0x0  }
0x2e: {  	p1 =	seq.s32 s20, $0x0;
	[sflag:s23] =	ssyncadd.s32 $0xFFFFFF00  }
0x2f: {  	[tilespmem:s24], [sflag:$0x4] =	stream.indirect.gather [spmem:s1], $0x40, s17, s19, $0xb8;
	[tilespmem:$0x12700] =	vst v63  }
0x30: {  	s7 =	simm.s32 @!p1 $0x5  }
0x31: {  	[tilespmem:s26], [sflag:$0x4] =	stream.indirect.gather [spmem:s1], $0x40, s25, s19, $0xb8;
	[tilespmem:$0x12700] =	vst v63  }
0x32: {  	_ =	swait.ge @!p1 [sflag:s7], $0x80  }
0x33: {  	[sflag:s7] =	ssyncset.done @!p1 $0x0  }
0x34: {  	s14 =	simm.s32 $0x0;
	[sflag:s7] =	ssyncadd.s32 @!p1 $0xFFFFFF80  }
0x35: {  	v4 =	vld [tilespmem:s14+$0x4270]  }
0x36: {  	v5 =	vld [tilespmem:s14+$0x270]  }
0x37: {  	v6 =	vld [tilespmem:s14+$0x4230]  }
0x38: {  	v8 =	vld [tilespmem:s14+$0x4260]  }
0x39: {  	v9 =	vld [tilespmem:s14+$0x260]  }
0x3a: {  	v10 =	vld [tilespmem:s14+$0x4220]  }
0x3b: {  	v14 =	vld [tilespmem:s14+$0x4250]  }
0x3c: {  	v15 =	vld [tilespmem:s14+$0x250]  }
0x3d: {  	v16 =	vld [tilespmem:s14+$0x4240];
	v12 =	vand.u32 $0xFFFF0000, v5;
	v13 =	vand.u32 $0xFFFF0000, v4  }
0x3e: {  	v7 =	vld [tilespmem:s14+$0x230];
	v5 =	vshll.u32 v5, $0x10;
	v4 =	vshll.u32 v4, $0x10;
	v17 =	vand.u32 $0xFFFF0000, v8  }
0x3f: {  	v11 =	vld [tilespmem:s14+$0x220];
	v19 =	vand.u32 $0xFFFF0000, v9;
	v9 =	vshll.u32 v9, $0x10;
	v8 =	vshll.u32 v8, $0x10  }
0x40: {  	v18 =	vld [tilespmem:s14+$0x240];
	v21 =	vand.u32 $0xFFFF0000, v10;
	v10 =	vshll.u32 v10, $0x10;
	v22 =	vand.u32 $0xFFFF0000, v14  }
0x41: {  	v20 =	vld [tilespmem:s14+$0x4210];
	v24 =	vand.u32 $0xFFFF0000, v15;
	v15 =	vshll.u32 v15, $0x10;
	v14 =	vshll.u32 v14, $0x10  }
0x42: {  	v23 =	vld [tilespmem:s14+$0x4200];
	v26 =	vand.u32 $0xFFFF0000, v16;
	v16 =	vshll.u32 v16, $0x10;
	v12 =	vmul.f32 v13, v12  }
0x43: {  	v13 =	vand.u32 $0xFFFF0000, v6;
	v6 =	vshll.u32 v6, $0x10;
	v8 =	vmul.f32 v8, v9;
	v9 =	vld [tilespmem:s14+$0x210]  }
0x44: {  	v4 =	vmul.f32 v4, v5;
	v5 =	vand.u32 $0xFFFF0000, v7;
	v7 =	vshll.u32 v7, $0x10  }
0x45: {  	v25 =	vld [tilespmem:s14+$0x200];
	v17 =	vmul.f32 v17, v19;
	v19 =	vand.u32 $0xFFFF0000, v11;
	v22 =	vmul.f32 v22, v24  }
0x46: {  	v14 =	vmul.f32 v14, v15;
	v15 =	vand.u32 $0xFFFF0000, v18;
	v18 =	vshll.u32 v18, $0x10  }
0x47: {  	v24 =	vand.u32 $0xFFFF0000, v20;
	v20 =	vshll.u32 v20, $0x10;
	v15 =	vmul.f32 v26, v15  }
0x48: {  	v16 =	vmul.f32 v16, v18;
	v26 =	vand.u32 $0xFFFF0000, v23;
	v18 =	vand.u32 $0xFFFF0000, v9  }
0x49: {  	v23 =	vshll.u32 v23, $0x10;
	v9 =	vshll.u32 v9, $0x10;
	v18 =	vmul.f32 v24, v18  }
0x4a: {  	v9 =	vmul.f32 v20, v9;
	v20 =	vand.u32 $0xFFFF0000, v25;
	v24 =	vshll.u32 v25, $0x10  }
0x4b: {  	v11 =	vshll.u32 v11, $0x10;
	v20 =	vmul.f32 v26, v20;
	v23 =	vmul.f32 v23, v24  }
0x4c: {  	v19 =	vmul.f32 v21, v19;
	v15 =	vadd.f32 v22, v15;
	v14 =	vadd.f32 v14, v16  }
0x4d: {  	v10 =	vmul.f32 v10, v11;
	v16 =	vadd.f32 v18, v20;
	v9 =	vadd.f32 v9, v23  }
0x4e: {  	v5 =	vmul.f32 v13, v5;
	v11 =	vadd.f32 v17, v15;
	v8 =	vadd.f32 v8, v14  }
0x4f: {  	v6 =	vmul.f32 v6, v7;
	v13 =	vadd.f32 v19, v16;
	v9 =	vadd.f32 v10, v9  }
0x50: {  	v7 =	vadd.f32 v12, v11;
	v4 =	vadd.f32 v4, v8  }
0x51: {  	v5 =	vadd.f32 v5, v13;
	v6 =	vadd.f32 v6, v9;
	_ =	sdelay $0x1  }
0x52: {  	v4 =	vadd.f32 v4, v7;
	v5 =	vadd.f32 v6, v5;
	_ =	sdelay $0x1  }
0x53: {  	v7 =	vperm.xlane v4, v0;
	v6 =	vperm.xlane v5, v0;
	_ =	sdelay $0x1  }
0x54: {  	v5 =	vsel vm0, v5, v7;
	v4 =	vsel vm0, v6, v4  }
0x55: {  	v4 =	vadd.f32 v4, v5  }
0x56: {  	s9 =	simm.s32 $0x8300  }
0x57: {  	s14 =	simm.s32 $0x80;
	[tilespmem:s9+$0x0] =	vst v4  }
0x58: {  	v4 =	vld [tilespmem:s14+$0x4270]  }
0x59: {  	v5 =	vld [tilespmem:s14+$0x270]  }
0x5a: {  	v11 =	vld [tilespmem:s14+$0x4260]  }
0x5b: {  	v12 =	vld [tilespmem:s14+$0x260]  }
0x5c: {  	v24 =	vld [tilespmem:s14+$0x4250]  }
0x5d: {  	v23 =	vld [tilespmem:s14+$0x250]  }
0x5e: {  	v6 =	vld [tilespmem:s14+$0x4230]  }
0x5f: {  	v8 =	vld [tilespmem:s14+$0x230];
	v7 =	vand.u32 $0xFFFF0000, v5;
	v10 =	vand.u32 $0xFFFF0000, v4  }
0x60: {  	v14 =	vld [tilespmem:s14+$0x4220];
	v5 =	vshll.u32 v5, $0x10;
	v13 =	vshll.u32 v4, $0x10;
	v15 =	vand.u32 $0xFFFF0000, v11  }
0x61: {  	v9 =	vld [tilespmem:s14+$0x220];
	v18 =	vand.u32 $0xFFFF0000, v12;
	v12 =	vshll.u32 v12, $0x10;
	v20 =	vshll.u32 v11, $0x10  }
0x62: {  	v16 =	vld [tilespmem:s14+$0x4240];
	v21 =	vand.u32 $0xFFFF0000, v24;
	v22 =	vand.u32 $0xFFFF0000, v23;
	v23 =	vshll.u32 v23, $0x10  }
0x63: {  	v19 =	vld [tilespmem:s14+$0x240];
	v24 =	vshll.u32 v24, $0x10;
	v4 =	vmul.f32 v10, v7;
	v7 =	vand.u32 $0xFFFF0000, v6  }
0x64: {  	v17 =	vld [tilespmem:s14+$0x4210];
	v6 =	vshll.u32 v6, $0x10;
	v5 =	vmul.f32 v13, v5;
	v10 =	vand.u32 $0xFFFF0000, v8  }
0x65: {  	v8 =	vshll.u32 v8, $0x10;
	v13 =	vand.u32 $0xFFFF0000, v14;
	v12 =	vmul.f32 v20, v12;
	v20 =	vld [tilespmem:s14+$0x210]  }
0x66: {  	s10 =	simm.s32 $0x400;
	s7 =	simm.s32 $0x0;
	v11 =	vmul.f32 v15, v18;
	v15 =	vand.u32 $0xFFFF0000, v9;
	v14 =	vshll.u32 v14, $0x10;
	v18 =	vld [tilespmem:s14+$0x4200]  }
.LBB2_3:
0x67: {  	p1 =	sne.s32 s10, $0x7E00;
	v25 =	vld [tilespmem:s14+$0x200];
	v26 =	vand.u32 $0xFFFF0000, v16;
	v21 =	vmul.f32 v21, v22;
	v22 =	vmul.f32 v24, v23  }
0x68: {  	v16 =	vshll.u32 v16, $0x10;
	v23 =	vand.u32 $0xFFFF0000, v19;
	v19 =	vshll.u32 v19, $0x10  }
0x69: {  	v24 =	vand.u32 $0xFFFF0000, v17;
	v23 =	vmul.f32 v26, v23;
	v16 =	vmul.f32 v16, v19  }
0x6a: {  	v17 =	vshll.u32 v17, $0x10;
	v19 =	vand.u32 $0xFFFF0000, v20;
	v20 =	vshll.u32 v20, $0x10  }
0x6b: {  	v26 =	vand.u32 $0xFFFF0000, v18;
	v19 =	vmul.f32 v24, v19;
	v17 =	vmul.f32 v17, v20  }
0x6c: {  	v18 =	vshll.u32 v18, $0x10;
	v20 =	vand.u32 $0xFFFF0000, v25;
	v24 =	vshll.u32 v25, $0x10  }
0x6d: {  	v9 =	vshll.u32 v9, $0x10;
	v20 =	vmul.f32 v26, v20;
	v18 =	vmul.f32 v18, v24  }
0x6e: {  	v13 =	vmul.f32 v13, v15;
	v15 =	vadd.f32 v21, v23;
	v16 =	vadd.f32 v22, v16  }
0x6f: {  	v9 =	vmul.f32 v14, v9;
	v19 =	vadd.f32 v19, v20;
	v17 =	vadd.f32 v17, v18  }
0x70: {  	v7 =	vmul.f32 v7, v10;
	v10 =	vadd.f32 v11, v15;
	v11 =	vadd.f32 v12, v16  }
0x71: {  	v6 =	vmul.f32 v6, v8;
	v12 =	vadd.f32 v13, v19;
	v9 =	vadd.f32 v9, v17  }
0x72: {  	v4 =	vadd.f32 v4, v10;
	v5 =	vadd.f32 v5, v11  }
0x73: {  	v7 =	vadd.f32 v7, v12;
	v6 =	vadd.f32 v6, v9;
	_ =	sdelay $0x1  }
0x74: {  	v4 =	vadd.f32 v5, v4;
	v6 =	vadd.f32 v6, v7;
	_ =	sdelay $0x1  }
0x75: {  	v7 =	vperm.xlane v4, v0;
	v5 =	vperm.xlane v6, v0;
	_ =	sdelay $0x1  }
0x76: {  	v6 =	vsel vm0, v6, v7;
	v4 =	vsel vm0, v5, v4  }
0x77: {  	v4 =	vadd.f32 v4, v6  }
0x78: {  	s9 =	sadd.s32 $0x10, s9  }
0x79: {  	s14 =	sshra.s32 s10, $0x2;
	[tilespmem:s9+$0x0] =	vst v4  }
0x7a: {  	v4 =	vld [tilespmem:s14+$0x4270]  }
0x7b: {  	v5 =	vld [tilespmem:s14+$0x270]  }
0x7c: {  	v6 =	vld [tilespmem:s14+$0x4230]  }
0x7d: {  	v8 =	vld [tilespmem:s14+$0x230]  }
0x7e: {  	v11 =	vld [tilespmem:s14+$0x4260]  }
0x7f: {  	v12 =	vld [tilespmem:s14+$0x260]  }
0x80: {  	v14 =	vld [tilespmem:s14+$0x4220]  }
0x81: {  	v10 =	vand.u32 $0xFFFF0000, v4;
	v7 =	vand.u32 $0xFFFF0000, v5;
	v9 =	vld [tilespmem:s14+$0x220]  }
0x82: {  	v13 =	vshll.u32 v4, $0x10;
	v5 =	vshll.u32 v5, $0x10;
	v4 =	vmul.f32 v10, v7;
	v24 =	vld [tilespmem:s14+$0x4250]  }
0x83: {  	v7 =	vand.u32 $0xFFFF0000, v6;
	v6 =	vshll.u32 v6, $0x10;
	v5 =	vmul.f32 v13, v5;
	v23 =	vld [tilespmem:s14+$0x250]  }
.Ltmp0:
0x84: {  	v10 =	vand.u32 $0xFFFF0000, v8;
	v8 =	vshll.u32 v8, $0x10;
	v15 =	vand.u32 $0xFFFF0000, v11;
	v16 =	vld [tilespmem:s14+$0x4240];
	(pc) =	sbr.rel @p1 .LBB2_3-.Ltmp0, $4  }
0x85: {  	v20 =	vshll.u32 v11, $0x10;
	v18 =	vand.u32 $0xFFFF0000, v12;
	v12 =	vshll.u32 v12, $0x10;
	v19 =	vld [tilespmem:s14+$0x240]  }
0x86: {  	v13 =	vand.u32 $0xFFFF0000, v14;
	v11 =	vmul.f32 v15, v18;
	v12 =	vmul.f32 v20, v12;
	v17 =	vld [tilespmem:s14+$0x4210]  }
0x87: {  	v14 =	vshll.u32 v14, $0x10;
	v15 =	vand.u32 $0xFFFF0000, v9;
	v20 =	vld [tilespmem:s14+$0x210];
	v21 =	vand.u32 $0xFFFF0000, v24  }
0x88: {  	s10 =	sadd.s32 $0x200, s10;
	v24 =	vshll.u32 v24, $0x10;
	v18 =	vld [tilespmem:s14+$0x4200];
	v22 =	vand.u32 $0xFFFF0000, v23;
	v23 =	vshll.u32 v23, $0x10  }
0x89: {  	v25 =	vld [tilespmem:s14+$0x200];
	v26 =	vand.u32 $0xFFFF0000, v16;
	v21 =	vmul.f32 v21, v22;
	v50 =	vmul.f32 v24, v23  }
0x8a: {  	v53 =	vshll.u32 v16, $0x10;
	v51 =	vand.u32 $0xFFFF0000, v19;
	v52 =	vshll.u32 v19, $0x10  }
0x8b: {  	v54 =	vand.u32 $0xFFFF0000, v17;
	v23 =	vmul.f32 v26, v51;
	v16 =	vmul.f32 v53, v52  }
0x8c: {  	v57 =	vshll.u32 v17, $0x10;
	v55 =	vand.u32 $0xFFFF0000, v20;
	v56 =	vshll.u32 v20, $0x10  }
0x8d: {  	v58 =	vand.u32 $0xFFFF0000, v18;
	v19 =	vmul.f32 v54, v55;
	v17 =	vmul.f32 v57, v56  }
0x8e: {  	v61 =	vshll.u32 v18, $0x10;
	v59 =	vand.u32 $0xFFFF0000, v25;
	v60 =	vshll.u32 v25, $0x10  }
0x8f: {  	v9 =	vshll.u32 v9, $0x10;
	v20 =	vmul.f32 v58, v59;
	v18 =	vmul.f32 v61, v60  }
0x90: {  	v13 =	vmul.f32 v13, v15;
	v62 =	vadd.f32 v21, v23;
	v16 =	vadd.f32 v50, v16  }
0x91: {  	v9 =	vmul.f32 v14, v9;
	v19 =	vadd.f32 v19, v20;
	v17 =	vadd.f32 v17, v18  }
0x92: {  	v7 =	vmul.f32 v7, v10;
	v10 =	vadd.f32 v11, v62;
	v11 =	vadd.f32 v12, v16  }
0x93: {  	v6 =	vmul.f32 v6, v8;
	v63 =	vadd.f32 v13, v19;
	v9 =	vadd.f32 v9, v17  }
0x94: {  	v4 =	vadd.f32 v4, v10;
	v5 =	vadd.f32 v5, v11  }
0x95: {  	v7 =	vadd.f32 v7, v63;
	v6 =	vadd.f32 v6, v9;
	_ =	sdelay $0x1  }
0x96: {  	v4 =	vadd.f32 v5, v4;
	v6 =	vadd.f32 v6, v7;
	_ =	sdelay $0x1  }
0x97: {  	v7 =	vperm.xlane v4, v0;
	v5 =	vperm.xlane v6, v0;
	_ =	sdelay $0x1  }
0x98: {  	v6 =	vsel vm0, v6, v7;
	v4 =	vsel vm0, v5, v4  }
0x99: {  	v4 =	vadd.f32 v4, v6  }
0x9a: {  	s9 =	sadd.s32 $0x10, s9  }
0x9b: {  	[tilespmem:s9+$0x0] =	vst v4;
	s9 =	simm.s32 $0x8340  }
0x9c: {  	v10 =	vld [tilespmem:s9+$0x0]  }
0x9d: {  	v11 =	vld [tilespmem:s9+$0x10]  }
0x9e: {  	v9 =	vld [tilespmem:s9+$0x20]  }
0x9f: {  	v7 =	vld [tilespmem:s9+$0x30]  }
0xa0: {  	v8 =	vld [tilespmem:s9+$0xFFFFFFC0]  }
0xa1: {  	v4 =	vld [tilespmem:s9+$0xFFFFFFD0]  }
0xa2: {  	v5 =	vld [tilespmem:s9+$0xFFFFFFE0]  }
0xa3: {  	s10 =	simm.s32 $0x40;
	v6 =	vld [tilespmem:s9+$0xFFFFFFF0]  }
.LBB2_5:
0xa4: {  	p1 =	sne.s32 s10, $0x1C0;
	v12 =	vperm.xlane v10, v1;
	v13 =	vperm.xlane v11, v1  }
0xa5: {  	v14 =	vperm.xlane v7, v1  }
0xa6: {  	v10 =	vsel vm1, v10, v13;
	v11 =	vsel vm1, v12, v11;
	v12 =	vperm.xlane v9, v1  }
0xa7: {  	v13 =	vperm.xlane v8, v1;
	v15 =	vperm.xlane v4, v1;
	v9 =	vsel vm1, v9, v14  }
0xa8: {  	v14 =	vperm.xlane v5, v1;
	v16 =	vperm.xlane v6, v1;
	v7 =	vsel vm1, v12, v7  }
0xa9: {  	v10 =	vadd.f32 v10, v11;
	v8 =	vsel vm1, v8, v15;
	v7 =	vadd.f32 v9, v7  }
0xaa: {  	v4 =	vsel vm1, v13, v4;
	v6 =	vsel vm1, v14, v6;
	v5 =	vsel vm1, v5, v16  }
0xab: {  	v4 =	vadd.f32 v8, v4;
	v5 =	vadd.f32 v5, v6  }
0xac: {  	v6 =	vperm.xlane v10, v2;
	v8 =	vperm.xlane v7, v2  }
0xad: {  	v9 =	vperm.xlane v4, v2;
	v11 =	vperm.xlane v5, v2  }
0xae: {  	v8 =	vsel vm2, v10, v8  }
0xaf: {  	v5 =	vsel vm2, v9, v5;
	v6 =	vsel vm2, v6, v7;
	v4 =	vsel vm2, v4, v11  }
0xb0: {  	v4 =	vadd.f32 v4, v5;
	v5 =	vadd.f32 v8, v6;
	_ =	sdelay $0x1  }
0xb1: {  	v6 =	vperm.xlane v4, v3;
	v7 =	vperm.xlane v5, v3;
	_ =	sdelay $0x1  }
0xb2: {  	v4 =	vsel vm3, v4, v7;
	v5 =	vsel vm3, v6, v5  }
0xb3: {  	v4 =	vadd.f32 v5, v4  }
0xb4: {  	s14 =	sshra.s32 s7, $0x2;
	s7 =	smov.u32 s10  }
0xb5: {  	s9 =	sadd.s32 $0x80, s9;
	[tilespmem:s14+$0x8200] =	vst v4  }
0xb6: {  	v10 =	vld [tilespmem:s9+$0x0]  }
0xb7: {  	v11 =	vld [tilespmem:s9+$0x10]  }
0xb8: {  	v9 =	vld [tilespmem:s9+$0x20]  }
.Ltmp1:
0xb9: {  	v7 =	vld [tilespmem:s9+$0x30];
	(pc) =	sbr.rel @p1 .LBB2_5-.Ltmp1, $4  }
0xba: {  	v8 =	vld [tilespmem:s9+$0xFFFFFFC0]  }
0xbb: {  	v4 =	vld [tilespmem:s9+$0xFFFFFFD0]  }
0xbc: {  	v5 =	vld [tilespmem:s9+$0xFFFFFFE0]  }
0xbd: {  	s10 =	sadd.s32 $0x40, s10;
	v6 =	vld [tilespmem:s9+$0xFFFFFFF0]  }
0xbe: {  	v12 =	vperm.xlane v10, v1;
	v13 =	vperm.xlane v11, v1  }
0xbf: {  	v14 =	vperm.xlane v7, v1  }
0xc0: {  	v10 =	vsel vm1, v10, v13;
	v11 =	vsel vm1, v12, v11;
	v12 =	vperm.xlane v9, v1  }
0xc1: {  	v13 =	vperm.xlane v8, v1;
	v15 =	vperm.xlane v4, v1;
	v9 =	vsel vm1, v9, v14  }
0xc2: {  	v14 =	vperm.xlane v5, v1;
	v10 =	vadd.f32 v10, v11;
	v16 =	vperm.xlane v6, v1  }
0xc3: {  	v7 =	vsel vm1, v12, v7;
	v8 =	vsel vm1, v8, v15;
	v4 =	vsel vm1, v13, v4  }
0xc4: {  	v7 =	vadd.f32 v9, v7;
	v6 =	vsel vm1, v14, v6;
	v5 =	vsel vm1, v5, v16  }
0xc5: {  	v4 =	vadd.f32 v8, v4;
	v5 =	vadd.f32 v5, v6  }
0xc6: {  	v6 =	vperm.xlane v10, v2;
	v8 =	vperm.xlane v7, v2  }
0xc7: {  	v9 =	vperm.xlane v4, v2;
	v11 =	vperm.xlane v5, v2  }
0xc8: {  	v8 =	vsel vm2, v10, v8  }
0xc9: {  	v5 =	vsel vm2, v9, v5;
	v6 =	vsel vm2, v6, v7;
	v4 =	vsel vm2, v4, v11  }
0xca: {  	v4 =	vadd.f32 v4, v5;
	v5 =	vadd.f32 v8, v6;
	_ =	sdelay $0x1  }
0xcb: {  	v6 =	vperm.xlane v4, v3;
	v7 =	vperm.xlane v5, v3;
	_ =	sdelay $0x1  }
0xcc: {  	v4 =	vsel vm3, v4, v7;
	v5 =	vsel vm3, v6, v5  }
0xcd: {  	s9 =	sadd.s32 s6, s21;
	v4 =	vadd.f32 v5, v4  }
0xce: {  	s7 =	sshra.s32 s7, $0x2;
	s9 =	sshll.u32 s9, $0x4  }
0xcf: {  	s10 =	sadd.s32 s5, s9;
	[tilespmem:s7+$0x8200] =	vst v4  }
0xd0: {  	[hbm4b:s10+s2] =	stream.linear.scatter [tilespmem:s28], [sflag:$0x5], $0x80, $0x38;
	[tilespmem:$0x12700] =	vst v63  }
0xd1: {  	_ =	swait.ge [sflag:s29], $0x2000  }
0xd2: {  	[sflag:s29] =	ssyncset.done $0x0  }
0xd3: {  	s7 =	sadd.s32 @!p0 s21, s12;
	[sflag:s29] =	ssyncadd.s32 $0xFFFFE000  }
0xd4: {  	s7 =	sshll.u32 @!p0 s7, $0x5;
	_ =	swait.ge [sflag:s29], $0x2000  }
0xd5: {  	s9 =	simm.s32 @!p0 $0x0;
	s7 =	sand.u32 @!p0 $0x1FFFFFE0, s7;
	[sflag:s29] =	ssyncset.done $0x0  }
0xd6: {  	s10 =	simm.s32 @!p0 $0x100;
	s7 =	sadd.s32 @!p0 s4, s7;
	[sflag:s29] =	ssyncadd.s32 $0xFFFFE000  }
0xd7: {  	[tilespmem:s10], [sflag:$0x2] =	stream.linear.gather @!p0 [hbm4b:s7+s9], $0x100, $0x38;
	[tilespmem:$0x12700] =	vst v63  }
0xd8: {  	s7 =	simm.s32 @!p0 $0x1  }
0xd9: {  	_ =	swait.ge @!p0 [sflag:s7], $0x100  }
0xda: {  	[sflag:s7] =	ssyncset.done @!p0 $0x0  }
0xdb: {  	s10 =	simm.s32 @!p0 $0x200;
	[sflag:s7] =	ssyncadd.s32 @!p0 $0xFFFFFF00;
	s7 =	simm.s32 @!p0 $0x80  }
0xdc: {  	[tilespmem:s10], [sflag:$0x3] =	stream.indirect.gather @!p0 [spmem:s1], $0x40, s9, s7, $0xb8;
	[tilespmem:$0x12700] =	vst v63  }
0xdd: {  	p1 =	seq.s32 @!p0 s20, $0x0;
	s9 =	simm.s32 @!p0 $0x4200  }
0xde: {  	[tilespmem:s9], [sflag:$0x3] =	stream.indirect.gather @!p0 [spmem:s1], $0x40, s7, s7, $0xb8;
	[tilespmem:$0x12700] =	vst v63  }
0xdf: {  	p0 =	por p0, !p1  }
0xe0: {  	_ =	swait.ge @p0 [sflag:s0], $0x80  }
0xe1: {  	[sflag:s0] =	ssyncset.done @p0 $0x0  }
0xe2: {  	s14 =	simm.s32 $0x0;
	[sflag:s0] =	ssyncadd.s32 @p0 $0xFFFFFF80  }
0xe3: {  	v4 =	vld [tilespmem:s14+$0x6270]  }
0xe4: {  	v5 =	vld [tilespmem:s14+$0x2270]  }
0xe5: {  	v6 =	vld [tilespmem:s14+$0x6230]  }
0xe6: {  	v8 =	vld [tilespmem:s14+$0x6260]  }
0xe7: {  	v9 =	vld [tilespmem:s14+$0x2260]  }
0xe8: {  	v10 =	vld [tilespmem:s14+$0x6220]  }
0xe9: {  	v14 =	vld [tilespmem:s14+$0x6250]  }
0xea: {  	v15 =	vld [tilespmem:s14+$0x2250]  }
0xeb: {  	v16 =	vld [tilespmem:s14+$0x6240];
	v12 =	vand.u32 $0xFFFF0000, v5;
	v13 =	vand.u32 $0xFFFF0000, v4  }
0xec: {  	v7 =	vld [tilespmem:s14+$0x2230];
	v5 =	vshll.u32 v5, $0x10;
	v4 =	vshll.u32 v4, $0x10;
	v17 =	vand.u32 $0xFFFF0000, v8  }
0xed: {  	v11 =	vld [tilespmem:s14+$0x2220];
	v19 =	vand.u32 $0xFFFF0000, v9;
	v9 =	vshll.u32 v9, $0x10;
	v8 =	vshll.u32 v8, $0x10  }
0xee: {  	v18 =	vld [tilespmem:s14+$0x2240];
	v21 =	vand.u32 $0xFFFF0000, v10;
	v10 =	vshll.u32 v10, $0x10;
	v22 =	vand.u32 $0xFFFF0000, v14  }
0xef: {  	v20 =	vld [tilespmem:s14+$0x6210];
	v24 =	vand.u32 $0xFFFF0000, v15;
	v15 =	vshll.u32 v15, $0x10;
	v14 =	vshll.u32 v14, $0x10  }
0xf0: {  	v23 =	vld [tilespmem:s14+$0x6200];
	v26 =	vand.u32 $0xFFFF0000, v16;
	v16 =	vshll.u32 v16, $0x10;
	v12 =	vmul.f32 v13, v12  }
0xf1: {  	v13 =	vand.u32 $0xFFFF0000, v6;
	v6 =	vshll.u32 v6, $0x10;
	v8 =	vmul.f32 v8, v9;
	v9 =	vld [tilespmem:s14+$0x2210]  }
0xf2: {  	v4 =	vmul.f32 v4, v5;
	v5 =	vand.u32 $0xFFFF0000, v7;
	v7 =	vshll.u32 v7, $0x10  }
0xf3: {  	v25 =	vld [tilespmem:s14+$0x2200];
	v17 =	vmul.f32 v17, v19;
	v19 =	vand.u32 $0xFFFF0000, v11;
	v22 =	vmul.f32 v22, v24  }
0xf4: {  	v14 =	vmul.f32 v14, v15;
	v15 =	vand.u32 $0xFFFF0000, v18;
	v18 =	vshll.u32 v18, $0x10  }
0xf5: {  	v24 =	vand.u32 $0xFFFF0000, v20;
	v20 =	vshll.u32 v20, $0x10;
	v15 =	vmul.f32 v26, v15  }
0xf6: {  	v16 =	vmul.f32 v16, v18;
	v26 =	vand.u32 $0xFFFF0000, v23;
	v18 =	vand.u32 $0xFFFF0000, v9  }
0xf7: {  	v23 =	vshll.u32 v23, $0x10;
	v9 =	vshll.u32 v9, $0x10;
	v18 =	vmul.f32 v24, v18  }
0xf8: {  	v9 =	vmul.f32 v20, v9;
	v20 =	vand.u32 $0xFFFF0000, v25;
	v24 =	vshll.u32 v25, $0x10  }
0xf9: {  	v11 =	vshll.u32 v11, $0x10;
	v20 =	vmul.f32 v26, v20;
	v23 =	vmul.f32 v23, v24  }
0xfa: {  	v19 =	vmul.f32 v21, v19;
	v15 =	vadd.f32 v22, v15;
	v14 =	vadd.f32 v14, v16  }
0xfb: {  	v10 =	vmul.f32 v10, v11;
	v16 =	vadd.f32 v18, v20;
	v9 =	vadd.f32 v9, v23  }
0xfc: {  	v5 =	vmul.f32 v13, v5;
	v11 =	vadd.f32 v17, v15;
	v8 =	vadd.f32 v8, v14  }
0xfd: {  	v6 =	vmul.f32 v6, v7;
	v13 =	vadd.f32 v19, v16;
	v9 =	vadd.f32 v10, v9  }
0xfe: {  	v7 =	vadd.f32 v12, v11;
	v4 =	vadd.f32 v4, v8  }
0xff: {  	v5 =	vadd.f32 v5, v13;
	v6 =	vadd.f32 v6, v9;
	_ =	sdelay $0x1  }
0x100: {  	v4 =	vadd.f32 v4, v7;
	v5 =	vadd.f32 v6, v5;
	_ =	sdelay $0x1  }
0x101: {  	v7 =	vperm.xlane v4, v0;
	v6 =	vperm.xlane v5, v0;
	_ =	sdelay $0x1  }
0x102: {  	v5 =	vsel vm0, v5, v7;
	v4 =	vsel vm0, v6, v4  }
0x103: {  	v4 =	vadd.f32 v4, v5  }
0x104: {  	s9 =	simm.s32 $0x8300  }
0x105: {  	s14 =	simm.s32 $0x80;
	[tilespmem:s9+$0x0] =	vst v4  }
0x106: {  	v4 =	vld [tilespmem:s14+$0x6270]  }
0x107: {  	v5 =	vld [tilespmem:s14+$0x2270]  }
0x108: {  	v11 =	vld [tilespmem:s14+$0x6260]  }
0x109: {  	v12 =	vld [tilespmem:s14+$0x2260]  }
0x10a: {  	v24 =	vld [tilespmem:s14+$0x6250]  }
0x10b: {  	v23 =	vld [tilespmem:s14+$0x2250]  }
0x10c: {  	v6 =	vld [tilespmem:s14+$0x6230]  }
0x10d: {  	v8 =	vld [tilespmem:s14+$0x2230];
	v7 =	vand.u32 $0xFFFF0000, v5;
	v10 =	vand.u32 $0xFFFF0000, v4  }
0x10e: {  	v14 =	vld [tilespmem:s14+$0x6220];
	v5 =	vshll.u32 v5, $0x10;
	v13 =	vshll.u32 v4, $0x10;
	v15 =	vand.u32 $0xFFFF0000, v11  }
0x10f: {  	v9 =	vld [tilespmem:s14+$0x2220];
	v18 =	vand.u32 $0xFFFF0000, v12;
	v12 =	vshll.u32 v12, $0x10;
	v20 =	vshll.u32 v11, $0x10  }
0x110: {  	v16 =	vld [tilespmem:s14+$0x6240];
	v21 =	vand.u32 $0xFFFF0000, v24;
	v22 =	vand.u32 $0xFFFF0000, v23;
	v23 =	vshll.u32 v23, $0x10  }
0x111: {  	v19 =	vld [tilespmem:s14+$0x2240];
	v24 =	vshll.u32 v24, $0x10;
	v4 =	vmul.f32 v10, v7;
	v7 =	vand.u32 $0xFFFF0000, v6  }
0x112: {  	v17 =	vld [tilespmem:s14+$0x6210];
	v6 =	vshll.u32 v6, $0x10;
	v5 =	vmul.f32 v13, v5;
	v10 =	vand.u32 $0xFFFF0000, v8  }
0x113: {  	v8 =	vshll.u32 v8, $0x10;
	v13 =	vand.u32 $0xFFFF0000, v14;
	v12 =	vmul.f32 v20, v12;
	v20 =	vld [tilespmem:s14+$0x2210]  }
0x114: {  	s10 =	simm.s32 $0x400;
	s7 =	simm.s32 $0x0;
	v11 =	vmul.f32 v15, v18;
	v15 =	vand.u32 $0xFFFF0000, v9;
	v14 =	vshll.u32 v14, $0x10;
	v18 =	vld [tilespmem:s14+$0x6200]  }
.LBB2_7:
0x115: {  	p0 =	sne.s32 s10, $0x7E00;
	v25 =	vld [tilespmem:s14+$0x2200];
	v26 =	vand.u32 $0xFFFF0000, v16;
	v21 =	vmul.f32 v21, v22;
	v22 =	vmul.f32 v24, v23  }
0x116: {  	v16 =	vshll.u32 v16, $0x10;
	v23 =	vand.u32 $0xFFFF0000, v19;
	v19 =	vshll.u32 v19, $0x10  }
0x117: {  	v24 =	vand.u32 $0xFFFF0000, v17;
	v23 =	vmul.f32 v26, v23;
	v16 =	vmul.f32 v16, v19  }
0x118: {  	v17 =	vshll.u32 v17, $0x10;
	v19 =	vand.u32 $0xFFFF0000, v20;
	v20 =	vshll.u32 v20, $0x10  }
0x119: {  	v26 =	vand.u32 $0xFFFF0000, v18;
	v19 =	vmul.f32 v24, v19;
	v17 =	vmul.f32 v17, v20  }
0x11a: {  	v18 =	vshll.u32 v18, $0x10;
	v20 =	vand.u32 $0xFFFF0000, v25;
	v24 =	vshll.u32 v25, $0x10  }
0x11b: {  	v9 =	vshll.u32 v9, $0x10;
	v20 =	vmul.f32 v26, v20;
	v18 =	vmul.f32 v18, v24  }
0x11c: {  	v13 =	vmul.f32 v13, v15;
	v15 =	vadd.f32 v21, v23;
	v16 =	vadd.f32 v22, v16  }
0x11d: {  	v9 =	vmul.f32 v14, v9;
	v19 =	vadd.f32 v19, v20;
	v17 =	vadd.f32 v17, v18  }
0x11e: {  	v7 =	vmul.f32 v7, v10;
	v10 =	vadd.f32 v11, v15;
	v11 =	vadd.f32 v12, v16  }
0x11f: {  	v6 =	vmul.f32 v6, v8;
	v12 =	vadd.f32 v13, v19;
	v9 =	vadd.f32 v9, v17  }
0x120: {  	v4 =	vadd.f32 v4, v10;
	v5 =	vadd.f32 v5, v11  }
0x121: {  	v7 =	vadd.f32 v7, v12;
	v6 =	vadd.f32 v6, v9;
	_ =	sdelay $0x1  }
0x122: {  	v4 =	vadd.f32 v5, v4;
	v6 =	vadd.f32 v6, v7;
	_ =	sdelay $0x1  }
0x123: {  	v7 =	vperm.xlane v4, v0;
	v5 =	vperm.xlane v6, v0;
	_ =	sdelay $0x1  }
0x124: {  	v6 =	vsel vm0, v6, v7;
	v4 =	vsel vm0, v5, v4  }
0x125: {  	v4 =	vadd.f32 v4, v6  }
0x126: {  	s9 =	sadd.s32 $0x10, s9  }
0x127: {  	s14 =	sshra.s32 s10, $0x2;
	[tilespmem:s9+$0x0] =	vst v4  }
0x128: {  	v4 =	vld [tilespmem:s14+$0x6270]  }
0x129: {  	v5 =	vld [tilespmem:s14+$0x2270]  }
0x12a: {  	v6 =	vld [tilespmem:s14+$0x6230]  }
0x12b: {  	v8 =	vld [tilespmem:s14+$0x2230]  }
0x12c: {  	v11 =	vld [tilespmem:s14+$0x6260]  }
0x12d: {  	v12 =	vld [tilespmem:s14+$0x2260]  }
0x12e: {  	v14 =	vld [tilespmem:s14+$0x6220]  }
0x12f: {  	v10 =	vand.u32 $0xFFFF0000, v4;
	v7 =	vand.u32 $0xFFFF0000, v5;
	v9 =	vld [tilespmem:s14+$0x2220]  }
0x130: {  	v13 =	vshll.u32 v4, $0x10;
	v5 =	vshll.u32 v5, $0x10;
	v4 =	vmul.f32 v10, v7;
	v24 =	vld [tilespmem:s14+$0x6250]  }
0x131: {  	v7 =	vand.u32 $0xFFFF0000, v6;
	v6 =	vshll.u32 v6, $0x10;
	v5 =	vmul.f32 v13, v5;
	v23 =	vld [tilespmem:s14+$0x2250]  }
.Ltmp2:
0x132: {  	v10 =	vand.u32 $0xFFFF0000, v8;
	v8 =	vshll.u32 v8, $0x10;
	v15 =	vand.u32 $0xFFFF0000, v11;
	v16 =	vld [tilespmem:s14+$0x6240];
	(pc) =	sbr.rel @p0 .LBB2_7-.Ltmp2, $4  }
0x133: {  	v20 =	vshll.u32 v11, $0x10;
	v18 =	vand.u32 $0xFFFF0000, v12;
	v12 =	vshll.u32 v12, $0x10;
	v19 =	vld [tilespmem:s14+$0x2240]  }
0x134: {  	v13 =	vand.u32 $0xFFFF0000, v14;
	v11 =	vmul.f32 v15, v18;
	v12 =	vmul.f32 v20, v12;
	v17 =	vld [tilespmem:s14+$0x6210]  }
0x135: {  	v14 =	vshll.u32 v14, $0x10;
	v15 =	vand.u32 $0xFFFF0000, v9;
	v20 =	vld [tilespmem:s14+$0x2210];
	v21 =	vand.u32 $0xFFFF0000, v24  }
0x136: {  	s10 =	sadd.s32 $0x200, s10;
	v24 =	vshll.u32 v24, $0x10;
	v18 =	vld [tilespmem:s14+$0x6200];
	v22 =	vand.u32 $0xFFFF0000, v23;
	v23 =	vshll.u32 v23, $0x10  }
0x137: {  	v25 =	vld [tilespmem:s14+$0x2200];
	v26 =	vand.u32 $0xFFFF0000, v16;
	v21 =	vmul.f32 v21, v22;
	v50 =	vmul.f32 v24, v23  }
0x138: {  	v53 =	vshll.u32 v16, $0x10;
	v51 =	vand.u32 $0xFFFF0000, v19;
	v52 =	vshll.u32 v19, $0x10  }
0x139: {  	v54 =	vand.u32 $0xFFFF0000, v17;
	v23 =	vmul.f32 v26, v51;
	v16 =	vmul.f32 v53, v52  }
0x13a: {  	v57 =	vshll.u32 v17, $0x10;
	v55 =	vand.u32 $0xFFFF0000, v20;
	v56 =	vshll.u32 v20, $0x10  }
0x13b: {  	v58 =	vand.u32 $0xFFFF0000, v18;
	v19 =	vmul.f32 v54, v55;
	v17 =	vmul.f32 v57, v56  }
0x13c: {  	v61 =	vshll.u32 v18, $0x10;
	v59 =	vand.u32 $0xFFFF0000, v25;
	v60 =	vshll.u32 v25, $0x10  }
0x13d: {  	v9 =	vshll.u32 v9, $0x10;
	v20 =	vmul.f32 v58, v59;
	v18 =	vmul.f32 v61, v60  }
0x13e: {  	v13 =	vmul.f32 v13, v15;
	v62 =	vadd.f32 v21, v23;
	v16 =	vadd.f32 v50, v16  }
0x13f: {  	v9 =	vmul.f32 v14, v9;
	v19 =	vadd.f32 v19, v20;
	v17 =	vadd.f32 v17, v18  }
0x140: {  	v7 =	vmul.f32 v7, v10;
	v10 =	vadd.f32 v11, v62;
	v11 =	vadd.f32 v12, v16  }
0x141: {  	v6 =	vmul.f32 v6, v8;
	v63 =	vadd.f32 v13, v19;
	v9 =	vadd.f32 v9, v17  }
0x142: {  	v4 =	vadd.f32 v4, v10;
	v5 =	vadd.f32 v5, v11  }
0x143: {  	v7 =	vadd.f32 v7, v63;
	v6 =	vadd.f32 v6, v9;
	_ =	sdelay $0x1  }
0x144: {  	v4 =	vadd.f32 v5, v4;
	v6 =	vadd.f32 v6, v7;
	_ =	sdelay $0x1  }
0x145: {  	v7 =	vperm.xlane v4, v0;
	v5 =	vperm.xlane v6, v0;
	_ =	sdelay $0x1  }
0x146: {  	v6 =	vsel vm0, v6, v7;
	v4 =	vsel vm0, v5, v4  }
0x147: {  	v4 =	vadd.f32 v4, v6  }
0x148: {  	s9 =	sadd.s32 $0x10, s9  }
0x149: {  	[tilespmem:s9+$0x0] =	vst v4;
	s9 =	simm.s32 $0x8340  }
0x14a: {  	v10 =	vld [tilespmem:s9+$0x0]  }
0x14b: {  	v11 =	vld [tilespmem:s9+$0x10]  }
0x14c: {  	v9 =	vld [tilespmem:s9+$0x20]  }
0x14d: {  	v7 =	vld [tilespmem:s9+$0x30]  }
0x14e: {  	v8 =	vld [tilespmem:s9+$0xFFFFFFC0]  }
0x14f: {  	v4 =	vld [tilespmem:s9+$0xFFFFFFD0]  }
0x150: {  	v5 =	vld [tilespmem:s9+$0xFFFFFFE0]  }
0x151: {  	s10 =	simm.s32 $0x40;
	v6 =	vld [tilespmem:s9+$0xFFFFFFF0]  }
.LBB2_9:
0x152: {  	p0 =	sne.s32 s10, $0x1C0;
	v12 =	vperm.xlane v10, v1;
	v13 =	vperm.xlane v11, v1  }
0x153: {  	v14 =	vperm.xlane v7, v1  }
0x154: {  	v10 =	vsel vm1, v10, v13;
	v11 =	vsel vm1, v12, v11;
	v12 =	vperm.xlane v9, v1  }
0x155: {  	v13 =	vperm.xlane v8, v1;
	v15 =	vperm.xlane v4, v1;
	v9 =	vsel vm1, v9, v14  }
0x156: {  	v14 =	vperm.xlane v5, v1;
	v16 =	vperm.xlane v6, v1;
	v7 =	vsel vm1, v12, v7  }
0x157: {  	v10 =	vadd.f32 v10, v11;
	v8 =	vsel vm1, v8, v15;
	v7 =	vadd.f32 v9, v7  }
0x158: {  	v4 =	vsel vm1, v13, v4;
	v6 =	vsel vm1, v14, v6;
	v5 =	vsel vm1, v5, v16  }
0x159: {  	v4 =	vadd.f32 v8, v4;
	v5 =	vadd.f32 v5, v6  }
0x15a: {  	v6 =	vperm.xlane v10, v2;
	v8 =	vperm.xlane v7, v2  }
0x15b: {  	v9 =	vperm.xlane v4, v2;
	v11 =	vperm.xlane v5, v2  }
0x15c: {  	v8 =	vsel vm2, v10, v8  }
0x15d: {  	v5 =	vsel vm2, v9, v5;
	v6 =	vsel vm2, v6, v7;
	v4 =	vsel vm2, v4, v11  }
0x15e: {  	v4 =	vadd.f32 v4, v5;
	v5 =	vadd.f32 v8, v6;
	_ =	sdelay $0x1  }
0x15f: {  	v6 =	vperm.xlane v4, v3;
	v7 =	vperm.xlane v5, v3;
	_ =	sdelay $0x1  }
0x160: {  	v4 =	vsel vm3, v4, v7;
	v5 =	vsel vm3, v6, v5  }
0x161: {  	v4 =	vadd.f32 v5, v4  }
0x162: {  	s14 =	sshra.s32 s7, $0x2;
	s7 =	smov.u32 s10  }
0x163: {  	s9 =	sadd.s32 $0x80, s9;
	[tilespmem:s14+$0x8280] =	vst v4  }
0x164: {  	v10 =	vld [tilespmem:s9+$0x0]  }
0x165: {  	v11 =	vld [tilespmem:s9+$0x10]  }
0x166: {  	v9 =	vld [tilespmem:s9+$0x20]  }
.Ltmp3:
0x167: {  	v7 =	vld [tilespmem:s9+$0x30];
	(pc) =	sbr.rel @p0 .LBB2_9-.Ltmp3, $4  }
0x168: {  	v8 =	vld [tilespmem:s9+$0xFFFFFFC0]  }
0x169: {  	v4 =	vld [tilespmem:s9+$0xFFFFFFD0]  }
0x16a: {  	v5 =	vld [tilespmem:s9+$0xFFFFFFE0]  }
0x16b: {  	s10 =	sadd.s32 $0x40, s10;
	v6 =	vld [tilespmem:s9+$0xFFFFFFF0]  }
0x16c: {  	v13 =	vperm.xlane v11, v1  }
0x16d: {  	v12 =	vperm.xlane v10, v1;
	v14 =	vperm.xlane v7, v1  }
0x16e: {  	v51 =	vperm.xlane v9, v1;
	v52 =	vperm.xlane v8, v1;
	v49 =	vsel vm1, v10, v13  }
0x16f: {  	v50 =	vsel vm1, v12, v11;
	v15 =	vperm.xlane v4, v1;
	v53 =	vsel vm1, v9, v14  }
0x170: {  	v55 =	vsel vm1, v51, v7;
	v54 =	vperm.xlane v5, v1;
	v16 =	vperm.xlane v6, v1  }
0x171: {  	v10 =	vadd.f32 v49, v50;
	v7 =	vadd.f32 v53, v55;
	v4 =	vsel vm1, v52, v4  }
0x172: {  	v56 =	vsel vm1, v8, v15;
	v57 =	vsel vm1, v54, v6;
	v5 =	vsel vm1, v5, v16  }
0x173: {  	v4 =	vadd.f32 v56, v4;
	v5 =	vadd.f32 v5, v57  }
0x174: {  	v58 =	vperm.xlane v10, v2;
	v59 =	vperm.xlane v7, v2  }
0x175: {  	v60 =	vperm.xlane v4, v2;
	v61 =	vperm.xlane v5, v2  }
0x176: {  	v8 =	vsel vm2, v10, v59  }
0x177: {  	v6 =	vsel vm2, v58, v7;
	v5 =	vsel vm2, v60, v5;
	v4 =	vsel vm2, v4, v61  }
0x178: {  	v4 =	vadd.f32 v4, v5;
	v5 =	vadd.f32 v8, v6;
	_ =	sdelay $0x1  }
0x179: {  	s20 =	sadd.s32 $0x1, s20;
	v62 =	vperm.xlane v4, v3;
	v63 =	vperm.xlane v5, v3  }
0x17a: {  	p0 =	sne.s32 s20, $0x28  }
.Ltmp4:
0x17b: {  	s9 =	sadd.s32 s21, s13;
	v4 =	vsel vm3, v4, v63;
	v5 =	vsel vm3, v62, v5;
	(pc) =	sbr.rel @p0 .LBB2_2-.Ltmp4, $4  }
0x17c: {  	s9 =	sshll.u32 s9, $0x4;
	v4 =	vadd.f32 v5, v4  }
0x17d: {  	s7 =	sshra.s32 s7, $0x2;
	s9 =	sand.u32 $0x1FFFFFF0, s9  }
0x17e: {  	s21 =	sadd.s32 s5, s9;
	[tilespmem:s7+$0x8280] =	vst v4  }
0x17f: {  	[hbm4b:s21+s2] =	stream.linear.scatter [tilespmem:s30], [sflag:$0x6], $0x80, $0x38;
	[tilespmem:$0x12700] =	vst v63  }
0x180: {  	_ =	swait.ge [sflag:s31], $0x80  }
0x181: {  	[sflag:s31] =	ssyncset.done $0x0  }
0x182: {  	[sflag:s31] =	ssyncadd.s32 $0xFFFFFF80  }
0x183: {  	_ =	swait.ge [sflag:s0], $0x80  }
0x184: {  	s3 =	sadd.s32 $0x1, s3;
	s7 =	rddreg [dreg:$0x6]  }
0x185: {  	p0 =	sne.s32 s3, s7  }
.Ltmp5:
0x186: {  	_ = 	snop;
	(pc) =	sbr.rel @p0 .LBB2_1-.Ltmp5, $3  }
0x187: {  	_ =	sdelay $0x1  }
0x188: {  	[sflag:s0] =	ssyncset.done $0x0  }
0x189: {  	[sflag:s0] =	ssyncadd.s32 $0xFFFFFF80  }
0x18a: {  	_ =	sfence.sel $0x180000  }
0x18b: {  	[bflag:$0x0] =	sbarrier.arrive $0xFFFF  }
0x18c: {  	_ =	strace $0x90000047  }
0x18d: {  	s0 =	stileid.u32;
	[bflag:$0x2] =	sbarrier.arrive $0xFFFF  }
0x18e: {  	p0 =	sne.s32 s0, $0x0;
	s0 =	rddreg [dreg:$0x2]  }
0x18f: {  	s0 =	sadd.s32 @!p0 $0x100000, s0  }
0x190: {  	[sflag:s0] =	ssyncadd.tile.s32 @!p0 $0x1;
	_ =	shalt  }
.Lfunc_end2:
_tile_overlayer_lowered:
.L_overlay_start_2:
0x191: {  	(tag) =	ssettag $0x2  }
0x192: {  	s0 =	rddreg [dreg:$0x0];
	s2 =	stileid.u32  }
0x193: {  	s1 =	rddreg [dreg:$0x1];
	p0 =	sne.s32 s2, $0x0  }
0x194: {  	s3 =	rddreg [dreg:$0x2];
	[bflag:$0x3] =	sbarrier.arrive $0xFFFF;
	s2 =	simm.s32 @!p0 $0x1C07  }
0x195: {  	[timem:s3], [sflag:s2] =	dma.local @!p0 [hbm:s0], s1  }
0x196: {  	s0 =	simm.s32 @!p0 $0x7  }
0x197: {  	_ =	swait.ge @!p0 [sflag:s0], s1  }
0x198: {  	s1 =	ssub.s32 @!p0 $0x0, s1;
	[sflag:s0] =	ssyncset.done @!p0 $0x0  }
0x199: {  	[sflag:s0] =	ssyncadd.s32 @!p0 s1  }
0x19a: {  	[bflag:$0x3] =	sbarrier.arrive $0xFFFF  }
0x19b: {  	_ =	shalt  }

</sc_bundles>
